<compile_context>
chip_gen: v7x
topology: tpu7x:2x2x1
jax: 0.10.2.dev20260603
libtpu: 0.0.44.dev20260713+nightly
codegen_flags: <defaults>
</compile_context>

<pallas_src>
import functools

import jax
import jax.numpy as jnp
from jax import lax
from jax.experimental import pallas as pl
from jax.experimental.pallas import tpu as pltpu
from jax.experimental.pallas import tpu_sc as plsc

_EPS = 1e-7
_NW = 32


@functools.cache
def _make_sc_gather(seg, hid, chunk):
    per_w = seg // _NW
    nchunks = per_w // chunk
    nbuf = min(nchunks, 2)
    mesh = plsc.VectorSubcoreMesh(core_axis_name="c", subcore_axis_name="s")

    @functools.partial(
        pl.kernel,
        out_type=jax.ShapeDtypeStruct((seg, hid), jnp.float32),
        mesh=mesh,
        compiler_params=pltpu.CompilerParams(needs_layout_passes=False),
        scratch_types=(
            [pltpu.VMEM((chunk,), jnp.int32)] * nbuf
            + [pltpu.VMEM((chunk, hid), jnp.float32)] * nbuf
            + [pltpu.SemaphoreType.DMA] * nbuf
        ),
    )
    def body(ids_hbm, word_hbm, out_hbm, *scr):
        wid = lax.axis_index("s") * 2 + lax.axis_index("c")
        base = wid * per_w
        idx = scr[:nbuf]
        rows = scr[nbuf:2 * nbuf]
        sems = scr[2 * nbuf:]

        def start(g):
            c0 = pl.multiple_of(base + g * chunk, chunk)
            b = g % nbuf
            pltpu.sync_copy(ids_hbm.at[pl.ds(c0, chunk)], idx[b])
            return pltpu.async_copy(word_hbm.at[idx[b]], rows[b], sems[b])

        cp = start(0)
        stores = [None] * nbuf
        for g in range(nchunks):
            if g + 1 < nchunks:
                if stores[(g + 1) % nbuf] is not None:
                    stores[(g + 1) % nbuf].wait()
                nxt = start(g + 1)
            else:
                nxt = None
            cp.wait()
            c0 = pl.multiple_of(base + g * chunk, chunk)
            stores[g % nbuf] = pltpu.async_copy(
                rows[g % nbuf], out_hbm.at[pl.ds(c0, chunk)], sems[g % nbuf])
            cp = nxt
        for st in stores:
            if st is not None:
                st.wait()

    return body


@functools.cache
def _make_tc_ln(ntok, b, w, hid, j, nseg, first, blk):
    s = w * nseg
    wb = w // blk
    sb = s // blk

    def body(g_ref, pos_ref, gam_ref, bet_ref, mask_ref, *rest):
        o_ref = rest[-1]
        x = g_ref[...] + pos_ref[...]
        mu = jnp.mean(x, axis=-1, keepdims=True)
        var = jnp.mean((x - mu) * (x - mu), axis=-1, keepdims=True)
        y = (x - mu) * lax.rsqrt(var + _EPS)
        y = y * gam_ref[...] + bet_ref[...]
        o_ref[...] = y * mask_ref[...]

    out_map = lambda s2, bi: (bi * sb + j * wb + s2, 0)
    in_specs = [
        pl.BlockSpec((blk, hid), lambda s2, bi: (bi * wb + s2, 0)),
        pl.BlockSpec((blk, hid), lambda s2, bi: (j * wb + s2, 0)),
        pl.BlockSpec((1, hid), lambda s2, bi: (0, 0)),
        pl.BlockSpec((1, hid), lambda s2, bi: (0, 0)),
        pl.BlockSpec((blk, 1), out_map),
    ]
    kwargs = {}
    if not first:
        in_specs.append(pl.BlockSpec(memory_space=pltpu.MemorySpace.HBM))
        kwargs["input_output_aliases"] = {5: 0}
    return pl.pallas_call(
        body,
        grid=(wb, b),
        in_specs=in_specs,
        out_specs=pl.BlockSpec((blk, hid), out_map),
        out_shape=jax.ShapeDtypeStruct((ntok, hid), jnp.float32),
        **kwargs,
    )


def kernel(input_ids, mask, word_table, pos_table, gamma, beta):
    b, s = input_ids.shape
    _, hid = word_table.shape
    nseg = 4
    w = s // nseg
    seg = b * w
    ids = input_ids.astype(jnp.int32)
    ids_sm = ids.reshape(b, nseg, w).transpose(1, 0, 2).reshape(nseg, seg)
    mk = mask.astype(jnp.float32).reshape(b * s, 1)
    gam2 = gamma.reshape(1, hid)
    bet2 = beta.reshape(1, hid)

    gather = _make_sc_gather(seg, hid, 32)
    rows = [gather(ids_sm[j], word_table) for j in range(nseg)]

    out = None
    for j in range(nseg):
        ln = _make_tc_ln(b * s, b, w, hid, j, nseg, first=(j == 0), blk=512)
        args = (rows[j], pos_table, gam2, bet2, mk)
        out = ln(*args) if j == 0 else ln(*args, out)
    return out.reshape(b, s, hid)

# --- scband reference (transcript-rebuilt; emitter-appended) ---
"""Pipeline reference for scband-deberta-v2-embeddings-41034117546294 (READ-ONLY COPY).

The authoritative reference and input builder live on the scoring server;
editing this copy changes nothing except your own understanding.
"""

import jax, jax.numpy as jnp
import numpy as np

VOCAB = 128100
HID = 1024
MAX_POS = 2048
B = 4
S = 2048
EPS = 1e-7


def setup_inputs(seed: int = 0) -> dict:
    key = jax.random.key(seed)
    k1, k2, k3, k4 = jax.random.split(key, 4)
    input_ids = jax.random.randint(k1, (B, S), 0, VOCAB, dtype=jnp.int64 if jax.config.jax_enable_x64 else jnp.int32)
    mask = jnp.ones((B, S), dtype=jnp.float32)
    word_table = jax.random.normal(k2, (VOCAB, HID), dtype=jnp.float32) * 0.02
    # padding_idx=0 -> row 0 is zero, as in nn.Embedding(padding_idx=0)
    word_table = word_table.at[0].set(0.0)
    pos_table = jax.random.normal(k3, (MAX_POS, HID), dtype=jnp.float32) * 0.02
    gamma = jnp.ones((HID,), dtype=jnp.float32)
    beta = jnp.zeros((HID,), dtype=jnp.float32)
    return {"input_ids": input_ids, "mask": mask, "word_table": word_table,
            "pos_table": pos_table, "gamma": gamma, "beta": beta}


def reference(input_ids, mask, word_table, pos_table, gamma, beta):
    # word embedding lookup
    x = jnp.take(word_table, input_ids, axis=0)            # [B, S, H]
    # absolute position embeddings: position_ids = arange(MAX_POS)[None]
    pos = jnp.take(pos_table, jnp.arange(S), axis=0)       # [S, H]
    x = x + pos[None, :, :]
    # LayerNorm over last dim
    mu = jnp.mean(x, axis=-1, keepdims=True)
    var = jnp.mean((x - mu) ** 2, axis=-1, keepdims=True)
    xn = (x - mu) / jnp.sqrt(var + EPS)
    emb = xn * gamma + beta
    # mask broadcast over hidden dim
    emb = emb * mask[:, :, None].astype(emb.dtype)
    # dropout is identity in eval mode
    return emb

if __name__ == "__main__":
    import jax
    _d = setup_inputs()
    print(jax.jit(kernel)(*tuple(_d.values())))

</pallas_src>

<mosaic_0001>
#map = affine_map<(d0, d1) -> (0)>
#map1 = affine_map<(d0, d1) -> (0, 0)>
module attributes {stable_mosaic.version = 14 : i64} {
  func.func @body(%arg0: i32, %arg1: i32, %arg2: memref<2048xi32, #tpu.memory_space<hbm>>, %arg3: memref<128100x1024xf32, #tpu.memory_space<hbm>>, %arg4: memref<2048x1024xf32, #tpu.memory_space<hbm>>, %arg5: memref<32xi32, #tpu.memory_space<vmem>>, %arg6: memref<32xi32, #tpu.memory_space<vmem>>, %arg7: memref<32x1024xf32, #tpu.memory_space<vmem>>, %arg8: memref<32x1024xf32, #tpu.memory_space<vmem>>, %arg9: memref<!tpu.dma_semaphore, #tpu.memory_space<semaphore_mem>>, %arg10: memref<!tpu.dma_semaphore, #tpu.memory_space<semaphore_mem>>) attributes {dimension_semantics = [#tpu.dimension_semantics<core_parallel>, #tpu.dimension_semantics<subcore_parallel>], iteration_bounds = array<i64: 2, 16>, scalar_prefetch = 0 : i64, scratch_operands = 6 : i64, tpu.core_type = #tpu.core_type<sc_vector_subcore>, window_params = [{transform_indices = #map}, {transform_indices = #map1}, {transform_indices = #map1}]} {
    %mul3A = arith.constant 2 : i32
    %mul3A_0 = arith.muli %arg1, %mul3A : i32
    %add3A = arith.addi %mul3A_0, %arg0 : i32
    %mul3A_1 = arith.constant 64 : i32
    %mul3A_2 = arith.muli %add3A, %mul3A_1 : i32
    %add3A_3 = arith.constant 0 : i32
    %add3A_4 = arith.addi %mul3A_2, %add3A_3 : i32
    %multiple_of3A = tpu.assume_multiple %add3A_4, 32 : i32
    "tpu.region"() ({
      %run_scoped3A = tpu.sem_alloc : memref<!tpu.dma_semaphore, #tpu.memory_space<semaphore_mem>>
      %dma_start3A_40 = tpu.memref_slice %arg2[%multiple_of3A] : memref<2048xi32, #tpu.memory_space<hbm>> -> memref<32xi32, #tpu.memory_space<hbm>>
      %dma_start3A_41 = tpu.memref_slice %arg2[%multiple_of3A] : memref<2048xi32, #tpu.memory_space<hbm>> -> memref<32xi32, #tpu.memory_space<hbm>>
      tpu.enqueue_dma source(%dma_start3A_41 : memref<32xi32, #tpu.memory_space<hbm>>) target(%arg5 : memref<32xi32, #tpu.memory_space<vmem>>) target_semaphore(%run_scoped3A : memref<!tpu.dma_semaphore, #tpu.memory_space<semaphore_mem>>)
      %dma_wait3A_42 = tpu.memref_slice %arg2[%multiple_of3A] : memref<2048xi32, #tpu.memory_space<hbm>> -> memref<32xi32, #tpu.memory_space<hbm>>
      %dma_wait3A_43 = tpu.memref_slice %arg2[%multiple_of3A] : memref<2048xi32, #tpu.memory_space<hbm>> -> memref<32xi32, #tpu.memory_space<hbm>>
      tpu.wait_dma2 semaphore(%run_scoped3A : memref<!tpu.dma_semaphore, #tpu.memory_space<semaphore_mem>>) src(%dma_wait3A_43 : memref<32xi32, #tpu.memory_space<hbm>>) dst(%arg5 : memref<32xi32, #tpu.memory_space<vmem>>)
      tpu.yield
    }) : () -> ()
    %dma_start3A = arith.constant 0 : i32
    %dma_start3A_5 = arith.constant 0 : i32
    %dma_start3A_6 = tpu.memref_slice %arg3[%dma_start3A, %dma_start3A_5] : memref<128100x1024xf32, #tpu.memory_space<hbm>> -> memref<128100x1024xf32, #tpu.memory_space<hbm>>
    tpu.enqueue_indirect_dma source(%dma_start3A_6 : memref<128100x1024xf32, #tpu.memory_space<hbm>>) target(%arg7 : memref<32x1024xf32, #tpu.memory_space<vmem>>) offsets(%arg5 : memref<32xi32, #tpu.memory_space<vmem>>) semaphore(%arg9 : memref<!tpu.dma_semaphore, #tpu.memory_space<semaphore_mem>>)
    %add3A_7 = arith.constant 32 : i32
    %add3A_8 = arith.addi %mul3A_2, %add3A_7 : i32
    %multiple_of3A_9 = tpu.assume_multiple %add3A_8, 32 : i32
    "tpu.region"() ({
      %run_scoped3A = tpu.sem_alloc : memref<!tpu.dma_semaphore, #tpu.memory_space<semaphore_mem>>
      %dma_start3A_40 = tpu.memref_slice %arg2[%multiple_of3A_9] : memref<2048xi32, #tpu.memory_space<hbm>> -> memref<32xi32, #tpu.memory_space<hbm>>
      %dma_start3A_41 = tpu.memref_slice %arg2[%multiple_of3A_9] : memref<2048xi32, #tpu.memory_space<hbm>> -> memref<32xi32, #tpu.memory_space<hbm>>
      tpu.enqueue_dma source(%dma_start3A_41 : memref<32xi32, #tpu.memory_space<hbm>>) target(%arg6 : memref<32xi32, #tpu.memory_space<vmem>>) target_semaphore(%run_scoped3A : memref<!tpu.dma_semaphore, #tpu.memory_space<semaphore_mem>>)
      %dma_wait3A_42 = tpu.memref_slice %arg2[%multiple_of3A_9] : memref<2048xi32, #tpu.memory_space<hbm>> -> memref<32xi32, #tpu.memory_space<hbm>>
      %dma_wait3A_43 = tpu.memref_slice %arg2[%multiple_of3A_9] : memref<2048xi32, #tpu.memory_space<hbm>> -> memref<32xi32, #tpu.memory_space<hbm>>
      tpu.wait_dma2 semaphore(%run_scoped3A : memref<!tpu.dma_semaphore, #tpu.memory_space<semaphore_mem>>) src(%dma_wait3A_43 : memref<32xi32, #tpu.memory_space<hbm>>) dst(%arg6 : memref<32xi32, #tpu.memory_space<vmem>>)
      tpu.yield
    }) : () -> ()
    %dma_start3A_10 = arith.constant 0 : i32
    %dma_start3A_11 = arith.constant 0 : i32
    %dma_start3A_12 = tpu.memref_slice %arg3[%dma_start3A_10, %dma_start3A_11] : memref<128100x1024xf32, #tpu.memory_space<hbm>> -> memref<128100x1024xf32, #tpu.memory_space<hbm>>
    tpu.enqueue_indirect_dma source(%dma_start3A_12 : memref<128100x1024xf32, #tpu.memory_space<hbm>>) target(%arg8 : memref<32x1024xf32, #tpu.memory_space<vmem>>) offsets(%arg6 : memref<32xi32, #tpu.memory_space<vmem>>) semaphore(%arg10 : memref<!tpu.dma_semaphore, #tpu.memory_space<semaphore_mem>>)
    %dma_wait3A = arith.constant 0 : i32
    %dma_wait3A_13 = arith.constant 0 : i32
    %dma_wait3A_14 = tpu.memref_slice %arg3[%dma_wait3A, %dma_wait3A_13] : memref<128100x1024xf32, #tpu.memory_space<hbm>> -> memref<128100x1024xf32, #tpu.memory_space<hbm>>
    tpu.wait_indirect_dma semaphore(%arg9 : memref<!tpu.dma_semaphore, #tpu.memory_space<semaphore_mem>>) src(%dma_wait3A_14 : memref<128100x1024xf32, #tpu.memory_space<hbm>>) dst(%arg7 : memref<32x1024xf32, #tpu.memory_space<vmem>>)
    %add3A_15 = arith.constant 0 : i32
    %add3A_16 = arith.addi %mul3A_2, %add3A_15 : i32
    %multiple_of3A_17 = tpu.assume_multiple %add3A_16, 32 : i32
    %dma_start3A_18 = arith.constant 0 : i32
    %dma_start3A_19 = tpu.memref_slice %arg4[%multiple_of3A_17, %dma_start3A_18] : memref<2048x1024xf32, #tpu.memory_space<hbm>> -> memref<32x1024xf32, #tpu.memory_space<hbm>>
    %dma_start3A_20 = arith.constant 0 : i32
    %dma_start3A_21 = tpu.memref_slice %arg4[%multiple_of3A_17, %dma_start3A_20] : memref<2048x1024xf32, #tpu.memory_space<hbm>> -> memref<32x1024xf32, #tpu.memory_space<hbm>>
    tpu.enqueue_dma source(%arg7 : memref<32x1024xf32, #tpu.memory_space<vmem>>) target(%dma_start3A_21 : memref<32x1024xf32, #tpu.memory_space<hbm>>) target_semaphore(%arg9 : memref<!tpu.dma_semaphore, #tpu.memory_space<semaphore_mem>>)
    %dma_wait3A_22 = arith.constant 0 : i32
    %dma_wait3A_23 = arith.constant 0 : i32
    %dma_wait3A_24 = tpu.memref_slice %arg3[%dma_wait3A_22, %dma_wait3A_23] : memref<128100x1024xf32, #tpu.memory_space<hbm>> -> memref<128100x1024xf32, #tpu.memory_space<hbm>>
    tpu.wait_indirect_dma semaphore(%arg10 : memref<!tpu.dma_semaphore, #tpu.memory_space<semaphore_mem>>) src(%dma_wait3A_24 : memref<128100x1024xf32, #tpu.memory_space<hbm>>) dst(%arg8 : memref<32x1024xf32, #tpu.memory_space<vmem>>)
    %add3A_25 = arith.constant 32 : i32
    %add3A_26 = arith.addi %mul3A_2, %add3A_25 : i32
    %multiple_of3A_27 = tpu.assume_multiple %add3A_26, 32 : i32
    %dma_start3A_28 = arith.constant 0 : i32
    %dma_start3A_29 = tpu.memref_slice %arg4[%multiple_of3A_27, %dma_start3A_28] : memref<2048x1024xf32, #tpu.memory_space<hbm>> -> memref<32x1024xf32, #tpu.memory_space<hbm>>
    %dma_start3A_30 = arith.constant 0 : i32
    %dma_start3A_31 = tpu.memref_slice %arg4[%multiple_of3A_27, %dma_start3A_30] : memref<2048x1024xf32, #tpu.memory_space<hbm>> -> memref<32x1024xf32, #tpu.memory_space<hbm>>
    tpu.enqueue_dma source(%arg8 : memref<32x1024xf32, #tpu.memory_space<vmem>>) target(%dma_start3A_31 : memref<32x1024xf32, #tpu.memory_space<hbm>>) target_semaphore(%arg10 : memref<!tpu.dma_semaphore, #tpu.memory_space<semaphore_mem>>)
    %dma_wait3A_32 = arith.constant 0 : i32
    %dma_wait3A_33 = tpu.memref_slice %arg4[%multiple_of3A_17, %dma_wait3A_32] : memref<2048x1024xf32, #tpu.memory_space<hbm>> -> memref<32x1024xf32, #tpu.memory_space<hbm>>
    %dma_wait3A_34 = arith.constant 0 : i32
    %dma_wait3A_35 = tpu.memref_slice %arg4[%multiple_of3A_17, %dma_wait3A_34] : memref<2048x1024xf32, #tpu.memory_space<hbm>> -> memref<32x1024xf32, #tpu.memory_space<hbm>>
    tpu.wait_dma2 semaphore(%arg9 : memref<!tpu.dma_semaphore, #tpu.memory_space<semaphore_mem>>) src(%arg7 : memref<32x1024xf32, #tpu.memory_space<vmem>>) dst(%dma_wait3A_35 : memref<32x1024xf32, #tpu.memory_space<hbm>>)
    %dma_wait3A_36 = arith.constant 0 : i32
    %dma_wait3A_37 = tpu.memref_slice %arg4[%multiple_of3A_27, %dma_wait3A_36] : memref<2048x1024xf32, #tpu.memory_space<hbm>> -> memref<32x1024xf32, #tpu.memory_space<hbm>>
    %dma_wait3A_38 = arith.constant 0 : i32
    %dma_wait3A_39 = tpu.memref_slice %arg4[%multiple_of3A_27, %dma_wait3A_38] : memref<2048x1024xf32, #tpu.memory_space<hbm>> -> memref<32x1024xf32, #tpu.memory_space<hbm>>
    tpu.wait_dma2 semaphore(%arg10 : memref<!tpu.dma_semaphore, #tpu.memory_space<semaphore_mem>>) src(%arg8 : memref<32x1024xf32, #tpu.memory_space<vmem>>) dst(%dma_wait3A_39 : memref<32x1024xf32, #tpu.memory_space<hbm>>)
    return
  }
}

#map = affine_map<(d0, d1) -> (0)>
#map1 = affine_map<(d0, d1) -> (0, 0)>
module attributes {stable_mosaic.version = 14 : i64} {
  func.func @body(%arg0: i32, %arg1: i32, %arg2: memref<2048xi32, #tpu.memory_space<hbm>>, %arg3: memref<128100x1024xf32, #tpu.memory_space<hbm>>, %arg4: memref<2048x1024xf32, #tpu.memory_space<hbm>>, %arg5: memref<32xi32, #tpu.memory_space<vmem>>, %arg6: memref<32xi32, #tpu.memory_space<vmem>>, %arg7: memref<32x1024xf32, #tpu.memory_space<vmem>>, %arg8: memref<32x1024xf32, #tpu.memory_space<vmem>>, %arg9: memref<!tpu.dma_semaphore, #tpu.memory_space<semaphore_mem>>, %arg10: memref<!tpu.dma_semaphore, #tpu.memory_space<semaphore_mem>>) attributes {dimension_semantics = [#tpu.dimension_semantics<core_parallel>, #tpu.dimension_semantics<subcore_parallel>], iteration_bounds = array<i64: 2, 16>, scalar_prefetch = 0 : i64, scratch_operands = 6 : i64, tpu.core_type = #tpu.core_type<sc_vector_subcore>, window_params = [{transform_indices = #map}, {transform_indices = #map1}, {transform_indices = #map1}]} {
    %mul3A = arith.constant 2 : i32
    %mul3A_0 = arith.muli %arg1, %mul3A : i32
    %add3A = arith.addi %mul3A_0, %arg0 : i32
    %mul3A_1 = arith.constant 64 : i32
    %mul3A_2 = arith.muli %add3A, %mul3A_1 : i32
    %add3A_3 = arith.constant 0 : i32
    %add3A_4 = arith.addi %mul3A_2, %add3A_3 : i32
    %multiple_of3A = tpu.assume_multiple %add3A_4, 32 : i32
    "tpu.region"() ({
      %run_scoped3A = tpu.sem_alloc : memref<!tpu.dma_semaphore, #tpu.memory_space<semaphore_mem>>
      %dma_start3A_40 = tpu.memref_slice %arg2[%multiple_of3A] : memref<2048xi32, #tpu.memory_space<hbm>> -> memref<32xi32, #tpu.memory_space<hbm>>
      %dma_start3A_41 = tpu.memref_slice %arg2[%multiple_of3A] : memref<2048xi32, #tpu.memory_space<hbm>> -> memref<32xi32, #tpu.memory_space<hbm>>
      tpu.enqueue_dma source(%dma_start3A_41 : memref<32xi32, #tpu.memory_space<hbm>>) target(%arg5 : memref<32xi32, #tpu.memory_space<vmem>>) target_semaphore(%run_scoped3A : memref<!tpu.dma_semaphore, #tpu.memory_space<semaphore_mem>>)
      %dma_wait3A_42 = tpu.memref_slice %arg2[%multiple_of3A] : memref<2048xi32, #tpu.memory_space<hbm>> -> memref<32xi32, #tpu.memory_space<hbm>>
      %dma_wait3A_43 = tpu.memref_slice %arg2[%multiple_of3A] : memref<2048xi32, #tpu.memory_space<hbm>> -> memref<32xi32, #tpu.memory_space<hbm>>
      tpu.wait_dma2 semaphore(%run_scoped3A : memref<!tpu.dma_semaphore, #tpu.memory_space<semaphore_mem>>) src(%dma_wait3A_43 : memref<32xi32, #tpu.memory_space<hbm>>) dst(%arg5 : memref<32xi32, #tpu.memory_space<vmem>>)
      tpu.yield
    }) : () -> ()
    %dma_start3A = arith.constant 0 : i32
    %dma_start3A_5 = arith.constant 0 : i32
    %dma_start3A_6 = tpu.memref_slice %arg3[%dma_start3A, %dma_start3A_5] : memref<128100x1024xf32, #tpu.memory_space<hbm>> -> memref<128100x1024xf32, #tpu.memory_space<hbm>>
    tpu.enqueue_indirect_dma source(%dma_start3A_6 : memref<128100x1024xf32, #tpu.memory_space<hbm>>) target(%arg7 : memref<32x1024xf32, #tpu.memory_space<vmem>>) offsets(%arg5 : memref<32xi32, #tpu.memory_space<vmem>>) semaphore(%arg9 : memref<!tpu.dma_semaphore, #tpu.memory_space<semaphore_mem>>)
    %add3A_7 = arith.constant 32 : i32
    %add3A_8 = arith.addi %mul3A_2, %add3A_7 : i32
    %multiple_of3A_9 = tpu.assume_multiple %add3A_8, 32 : i32
    "tpu.region"() ({
      %run_scoped3A = tpu.sem_alloc : memref<!tpu.dma_semaphore, #tpu.memory_space<semaphore_mem>>
      %dma_start3A_40 = tpu.memref_slice %arg2[%multiple_of3A_9] : memref<2048xi32, #tpu.memory_space<hbm>> -> memref<32xi32, #tpu.memory_space<hbm>>
      %dma_start3A_41 = tpu.memref_slice %arg2[%multiple_of3A_9] : memref<2048xi32, #tpu.memory_space<hbm>> -> memref<32xi32, #tpu.memory_space<hbm>>
      tpu.enqueue_dma source(%dma_start3A_41 : memref<32xi32, #tpu.memory_space<hbm>>) target(%arg6 : memref<32xi32, #tpu.memory_space<vmem>>) target_semaphore(%run_scoped3A : memref<!tpu.dma_semaphore, #tpu.memory_space<semaphore_mem>>)
      %dma_wait3A_42 = tpu.memref_slice %arg2[%multiple_of3A_9] : memref<2048xi32, #tpu.memory_space<hbm>> -> memref<32xi32, #tpu.memory_space<hbm>>
      %dma_wait3A_43 = tpu.memref_slice %arg2[%multiple_of3A_9] : memref<2048xi32, #tpu.memory_space<hbm>> -> memref<32xi32, #tpu.memory_space<hbm>>
      tpu.wait_dma2 semaphore(%run_scoped3A : memref<!tpu.dma_semaphore, #tpu.memory_space<semaphore_mem>>) src(%dma_wait3A_43 : memref<32xi32, #tpu.memory_space<hbm>>) dst(%arg6 : memref<32xi32, #tpu.memory_space<vmem>>)
      tpu.yield
    }) : () -> ()
    %dma_start3A_10 = arith.constant 0 : i32
    %dma_start3A_11 = arith.constant 0 : i32
    %dma_start3A_12 = tpu.memref_slice %arg3[%dma_start3A_10, %dma_start3A_11] : memref<128100x1024xf32, #tpu.memory_space<hbm>> -> memref<128100x1024xf32, #tpu.memory_space<hbm>>
    tpu.enqueue_indirect_dma source(%dma_start3A_12 : memref<128100x1024xf32, #tpu.memory_space<hbm>>) target(%arg8 : memref<32x1024xf32, #tpu.memory_space<vmem>>) offsets(%arg6 : memref<32xi32, #tpu.memory_space<vmem>>) semaphore(%arg10 : memref<!tpu.dma_semaphore, #tpu.memory_space<semaphore_mem>>)
    %dma_wait3A = arith.constant 0 : i32
    %dma_wait3A_13 = arith.constant 0 : i32
    %dma_wait3A_14 = tpu.memref_slice %arg3[%dma_wait3A, %dma_wait3A_13] : memref<128100x1024xf32, #tpu.memory_space<hbm>> -> memref<128100x1024xf32, #tpu.memory_space<hbm>>
    tpu.wait_indirect_dma semaphore(%arg9 : memref<!tpu.dma_semaphore, #tpu.memory_space<semaphore_mem>>) src(%dma_wait3A_14 : memref<128100x1024xf32, #tpu.memory_space<hbm>>) dst(%arg7 : memref<32x1024xf32, #tpu.memory_space<vmem>>)
    %add3A_15 = arith.constant 0 : i32
    %add3A_16 = arith.addi %mul3A_2, %add3A_15 : i32
    %multiple_of3A_17 = tpu.assume_multiple %add3A_16, 32 : i32
    %dma_start3A_18 = arith.constant 0 : i32
    %dma_start3A_19 = tpu.memref_slice %arg4[%multiple_of3A_17, %dma_start3A_18] : memref<2048x1024xf32, #tpu.memory_space<hbm>> -> memref<32x1024xf32, #tpu.memory_space<hbm>>
    %dma_start3A_20 = arith.constant 0 : i32
    %dma_start3A_21 = tpu.memref_slice %arg4[%multiple_of3A_17, %dma_start3A_20] : memref<2048x1024xf32, #tpu.memory_space<hbm>> -> memref<32x1024xf32, #tpu.memory_space<hbm>>
    tpu.enqueue_dma source(%arg7 : memref<32x1024xf32, #tpu.memory_space<vmem>>) target(%dma_start3A_21 : memref<32x1024xf32, #tpu.memory_space<hbm>>) target_semaphore(%arg9 : memref<!tpu.dma_semaphore, #tpu.memory_space<semaphore_mem>>)
    %dma_wait3A_22 = arith.constant 0 : i32
    %dma_wait3A_23 = arith.constant 0 : i32
    %dma_wait3A_24 = tpu.memref_slice %arg3[%dma_wait3A_22, %dma_wait3A_23] : memref<128100x1024xf32, #tpu.memory_space<hbm>> -> memref<128100x1024xf32, #tpu.memory_space<hbm>>
    tpu.wait_indirect_dma semaphore(%arg10 : memref<!tpu.dma_semaphore, #tpu.memory_space<semaphore_mem>>) src(%dma_wait3A_24 : memref<128100x1024xf32, #tpu.memory_space<hbm>>) dst(%arg8 : memref<32x1024xf32, #tpu.memory_space<vmem>>)
    %add3A_25 = arith.constant 32 : i32
    %add3A_26 = arith.addi %mul3A_2, %add3A_25 : i32
    %multiple_of3A_27 = tpu.assume_multiple %add3A_26, 32 : i32
    %dma_start3A_28 = arith.constant 0 : i32
    %dma_start3A_29 = tpu.memref_slice %arg4[%multiple_of3A_27, %dma_start3A_28] : memref<2048x1024xf32, #tpu.memory_space<hbm>> -> memref<32x1024xf32, #tpu.memory_space<hbm>>
    %dma_start3A_30 = arith.constant 0 : i32
    %dma_start3A_31 = tpu.memref_slice %arg4[%multiple_of3A_27, %dma_start3A_30] : memref<2048x1024xf32, #tpu.memory_space<hbm>> -> memref<32x1024xf32, #tpu.memory_space<hbm>>
    tpu.enqueue_dma source(%arg8 : memref<32x1024xf32, #tpu.memory_space<vmem>>) target(%dma_start3A_31 : memref<32x1024xf32, #tpu.memory_space<hbm>>) target_semaphore(%arg10 : memref<!tpu.dma_semaphore, #tpu.memory_space<semaphore_mem>>)
    %dma_wait3A_32 = arith.constant 0 : i32
    %dma_wait3A_33 = tpu.memref_slice %arg4[%multiple_of3A_17, %dma_wait3A_32] : memref<2048x1024xf32, #tpu.memory_space<hbm>> -> memref<32x1024xf32, #tpu.memory_space<hbm>>
    %dma_wait3A_34 = arith.constant 0 : i32
    %dma_wait3A_35 = tpu.memref_slice %arg4[%multiple_of3A_17, %dma_wait3A_34] : memref<2048x1024xf32, #tpu.memory_space<hbm>> -> memref<32x1024xf32, #tpu.memory_space<hbm>>
    tpu.wait_dma2 semaphore(%arg9 : memref<!tpu.dma_semaphore, #tpu.memory_space<semaphore_mem>>) src(%arg7 : memref<32x1024xf32, #tpu.memory_space<vmem>>) dst(%dma_wait3A_35 : memref<32x1024xf32, #tpu.memory_space<hbm>>)
    %dma_wait3A_36 = arith.constant 0 : i32
    %dma_wait3A_37 = tpu.memref_slice %arg4[%multiple_of3A_27, %dma_wait3A_36] : memref<2048x1024xf32, #tpu.memory_space<hbm>> -> memref<32x1024xf32, #tpu.memory_space<hbm>>
    %dma_wait3A_38 = arith.constant 0 : i32
    %dma_wait3A_39 = tpu.memref_slice %arg4[%multiple_of3A_27, %dma_wait3A_38] : memref<2048x1024xf32, #tpu.memory_space<hbm>> -> memref<32x1024xf32, #tpu.memory_space<hbm>>
    tpu.wait_dma2 semaphore(%arg10 : memref<!tpu.dma_semaphore, #tpu.memory_space<semaphore_mem>>) src(%arg8 : memref<32x1024xf32, #tpu.memory_space<vmem>>) dst(%dma_wait3A_39 : memref<32x1024xf32, #tpu.memory_space<hbm>>)
    return
  }
}

#map = affine_map<(d0, d1) -> (0)>
#map1 = affine_map<(d0, d1) -> (0, 0)>
module attributes {stable_mosaic.version = 14 : i64} {
  func.func @body(%arg0: i32, %arg1: i32, %arg2: memref<2048xi32, #tpu.memory_space<hbm>>, %arg3: memref<128100x1024xf32, #tpu.memory_space<hbm>>, %arg4: memref<2048x1024xf32, #tpu.memory_space<hbm>>, %arg5: memref<32xi32, #tpu.memory_space<vmem>>, %arg6: memref<32xi32, #tpu.memory_space<vmem>>, %arg7: memref<32x1024xf32, #tpu.memory_space<vmem>>, %arg8: memref<32x1024xf32, #tpu.memory_space<vmem>>, %arg9: memref<!tpu.dma_semaphore, #tpu.memory_space<semaphore_mem>>, %arg10: memref<!tpu.dma_semaphore, #tpu.memory_space<semaphore_mem>>) attributes {dimension_semantics = [#tpu.dimension_semantics<core_parallel>, #tpu.dimension_semantics<subcore_parallel>], iteration_bounds = array<i64: 2, 16>, scalar_prefetch = 0 : i64, scratch_operands = 6 : i64, tpu.core_type = #tpu.core_type<sc_vector_subcore>, window_params = [{transform_indices = #map}, {transform_indices = #map1}, {transform_indices = #map1}]} {
    %mul3A = arith.constant 2 : i32
    %mul3A_0 = arith.muli %arg1, %mul3A : i32
    %add3A = arith.addi %mul3A_0, %arg0 : i32
    %mul3A_1 = arith.constant 64 : i32
    %mul3A_2 = arith.muli %add3A, %mul3A_1 : i32
    %add3A_3 = arith.constant 0 : i32
    %add3A_4 = arith.addi %mul3A_2, %add3A_3 : i32
    %multiple_of3A = tpu.assume_multiple %add3A_4, 32 : i32
    "tpu.region"() ({
      %run_scoped3A = tpu.sem_alloc : memref<!tpu.dma_semaphore, #tpu.memory_space<semaphore_mem>>
      %dma_start3A_40 = tpu.memref_slice %arg2[%multiple_of3A] : memref<2048xi32, #tpu.memory_space<hbm>> -> memref<32xi32, #tpu.memory_space<hbm>>
      %dma_start3A_41 = tpu.memref_slice %arg2[%multiple_of3A] : memref<2048xi32, #tpu.memory_space<hbm>> -> memref<32xi32, #tpu.memory_space<hbm>>
      tpu.enqueue_dma source(%dma_start3A_41 : memref<32xi32, #tpu.memory_space<hbm>>) target(%arg5 : memref<32xi32, #tpu.memory_space<vmem>>) target_semaphore(%run_scoped3A : memref<!tpu.dma_semaphore, #tpu.memory_space<semaphore_mem>>)
      %dma_wait3A_42 = tpu.memref_slice %arg2[%multiple_of3A] : memref<2048xi32, #tpu.memory_space<hbm>> -> memref<32xi32, #tpu.memory_space<hbm>>
      %dma_wait3A_43 = tpu.memref_slice %arg2[%multiple_of3A] : memref<2048xi32, #tpu.memory_space<hbm>> -> memref<32xi32, #tpu.memory_space<hbm>>
      tpu.wait_dma2 semaphore(%run_scoped3A : memref<!tpu.dma_semaphore, #tpu.memory_space<semaphore_mem>>) src(%dma_wait3A_43 : memref<32xi32, #tpu.memory_space<hbm>>) dst(%arg5 : memref<32xi32, #tpu.memory_space<vmem>>)
      tpu.yield
    }) : () -> ()
    %dma_start3A = arith.constant 0 : i32
    %dma_start3A_5 = arith.constant 0 : i32
    %dma_start3A_6 = tpu.memref_slice %arg3[%dma_start3A, %dma_start3A_5] : memref<128100x1024xf32, #tpu.memory_space<hbm>> -> memref<128100x1024xf32, #tpu.memory_space<hbm>>
    tpu.enqueue_indirect_dma source(%dma_start3A_6 : memref<128100x1024xf32, #tpu.memory_space<hbm>>) target(%arg7 : memref<32x1024xf32, #tpu.memory_space<vmem>>) offsets(%arg5 : memref<32xi32, #tpu.memory_space<vmem>>) semaphore(%arg9 : memref<!tpu.dma_semaphore, #tpu.memory_space<semaphore_mem>>)
    %add3A_7 = arith.constant 32 : i32
    %add3A_8 = arith.addi %mul3A_2, %add3A_7 : i32
    %multiple_of3A_9 = tpu.assume_multiple %add3A_8, 32 : i32
    "tpu.region"() ({
      %run_scoped3A = tpu.sem_alloc : memref<!tpu.dma_semaphore, #tpu.memory_space<semaphore_mem>>
      %dma_start3A_40 = tpu.memref_slice %arg2[%multiple_of3A_9] : memref<2048xi32, #tpu.memory_space<hbm>> -> memref<32xi32, #tpu.memory_space<hbm>>
      %dma_start3A_41 = tpu.memref_slice %arg2[%multiple_of3A_9] : memref<2048xi32, #tpu.memory_space<hbm>> -> memref<32xi32, #tpu.memory_space<hbm>>
      tpu.enqueue_dma source(%dma_start3A_41 : memref<32xi32, #tpu.memory_space<hbm>>) target(%arg6 : memref<32xi32, #tpu.memory_space<vmem>>) target_semaphore(%run_scoped3A : memref<!tpu.dma_semaphore, #tpu.memory_space<semaphore_mem>>)
      %dma_wait3A_42 = tpu.memref_slice %arg2[%multiple_of3A_9] : memref<2048xi32, #tpu.memory_space<hbm>> -> memref<32xi32, #tpu.memory_space<hbm>>
      %dma_wait3A_43 = tpu.memref_slice %arg2[%multiple_of3A_9] : memref<2048xi32, #tpu.memory_space<hbm>> -> memref<32xi32, #tpu.memory_space<hbm>>
      tpu.wait_dma2 semaphore(%run_scoped3A : memref<!tpu.dma_semaphore, #tpu.memory_space<semaphore_mem>>) src(%dma_wait3A_43 : memref<32xi32, #tpu.memory_space<hbm>>) dst(%arg6 : memref<32xi32, #tpu.memory_space<vmem>>)
      tpu.yield
    }) : () -> ()
    %dma_start3A_10 = arith.constant 0 : i32
    %dma_start3A_11 = arith.constant 0 : i32
    %dma_start3A_12 = tpu.memref_slice %arg3[%dma_start3A_10, %dma_start3A_11] : memref<128100x1024xf32, #tpu.memory_space<hbm>> -> memref<128100x1024xf32, #tpu.memory_space<hbm>>
    tpu.enqueue_indirect_dma source(%dma_start3A_12 : memref<128100x1024xf32, #tpu.memory_space<hbm>>) target(%arg8 : memref<32x1024xf32, #tpu.memory_space<vmem>>) offsets(%arg6 : memref<32xi32, #tpu.memory_space<vmem>>) semaphore(%arg10 : memref<!tpu.dma_semaphore, #tpu.memory_space<semaphore_mem>>)
    %dma_wait3A = arith.constant 0 : i32
    %dma_wait3A_13 = arith.constant 0 : i32
    %dma_wait3A_14 = tpu.memref_slice %arg3[%dma_wait3A, %dma_wait3A_13] : memref<128100x1024xf32, #tpu.memory_space<hbm>> -> memref<128100x1024xf32, #tpu.memory_space<hbm>>
    tpu.wait_indirect_dma semaphore(%arg9 : memref<!tpu.dma_semaphore, #tpu.memory_space<semaphore_mem>>) src(%dma_wait3A_14 : memref<128100x1024xf32, #tpu.memory_space<hbm>>) dst(%arg7 : memref<32x1024xf32, #tpu.memory_space<vmem>>)
    %add3A_15 = arith.constant 0 : i32
    %add3A_16 = arith.addi %mul3A_2, %add3A_15 : i32
    %multiple_of3A_17 = tpu.assume_multiple %add3A_16, 32 : i32
    %dma_start3A_18 = arith.constant 0 : i32
    %dma_start3A_19 = tpu.memref_slice %arg4[%multiple_of3A_17, %dma_start3A_18] : memref<2048x1024xf32, #tpu.memory_space<hbm>> -> memref<32x1024xf32, #tpu.memory_space<hbm>>
    %dma_start3A_20 = arith.constant 0 : i32
    %dma_start3A_21 = tpu.memref_slice %arg4[%multiple_of3A_17, %dma_start3A_20] : memref<2048x1024xf32, #tpu.memory_space<hbm>> -> memref<32x1024xf32, #tpu.memory_space<hbm>>
    tpu.enqueue_dma source(%arg7 : memref<32x1024xf32, #tpu.memory_space<vmem>>) target(%dma_start3A_21 : memref<32x1024xf32, #tpu.memory_space<hbm>>) target_semaphore(%arg9 : memref<!tpu.dma_semaphore, #tpu.memory_space<semaphore_mem>>)
    %dma_wait3A_22 = arith.constant 0 : i32
    %dma_wait3A_23 = arith.constant 0 : i32
    %dma_wait3A_24 = tpu.memref_slice %arg3[%dma_wait3A_22, %dma_wait3A_23] : memref<128100x1024xf32, #tpu.memory_space<hbm>> -> memref<128100x1024xf32, #tpu.memory_space<hbm>>
    tpu.wait_indirect_dma semaphore(%arg10 : memref<!tpu.dma_semaphore, #tpu.memory_space<semaphore_mem>>) src(%dma_wait3A_24 : memref<128100x1024xf32, #tpu.memory_space<hbm>>) dst(%arg8 : memref<32x1024xf32, #tpu.memory_space<vmem>>)
    %add3A_25 = arith.constant 32 : i32
    %add3A_26 = arith.addi %mul3A_2, %add3A_25 : i32
    %multiple_of3A_27 = tpu.assume_multiple %add3A_26, 32 : i32
    %dma_start3A_28 = arith.constant 0 : i32
    %dma_start3A_29 = tpu.memref_slice %arg4[%multiple_of3A_27, %dma_start3A_28] : memref<2048x1024xf32, #tpu.memory_space<hbm>> -> memref<32x1024xf32, #tpu.memory_space<hbm>>
    %dma_start3A_30 = arith.constant 0 : i32
    %dma_start3A_31 = tpu.memref_slice %arg4[%multiple_of3A_27, %dma_start3A_30] : memref<2048x1024xf32, #tpu.memory_space<hbm>> -> memref<32x1024xf32, #tpu.memory_space<hbm>>
    tpu.enqueue_dma source(%arg8 : memref<32x1024xf32, #tpu.memory_space<vmem>>) target(%dma_start3A_31 : memref<32x1024xf32, #tpu.memory_space<hbm>>) target_semaphore(%arg10 : memref<!tpu.dma_semaphore, #tpu.memory_space<semaphore_mem>>)
    %dma_wait3A_32 = arith.constant 0 : i32
    %dma_wait3A_33 = tpu.memref_slice %arg4[%multiple_of3A_17, %dma_wait3A_32] : memref<2048x1024xf32, #tpu.memory_space<hbm>> -> memref<32x1024xf32, #tpu.memory_space<hbm>>
    %dma_wait3A_34 = arith.constant 0 : i32
    %dma_wait3A_35 = tpu.memref_slice %arg4[%multiple_of3A_17, %dma_wait3A_34] : memref<2048x1024xf32, #tpu.memory_space<hbm>> -> memref<32x1024xf32, #tpu.memory_space<hbm>>
    tpu.wait_dma2 semaphore(%arg9 : memref<!tpu.dma_semaphore, #tpu.memory_space<semaphore_mem>>) src(%arg7 : memref<32x1024xf32, #tpu.memory_space<vmem>>) dst(%dma_wait3A_35 : memref<32x1024xf32, #tpu.memory_space<hbm>>)
    %dma_wait3A_36 = arith.constant 0 : i32
    %dma_wait3A_37 = tpu.memref_slice %arg4[%multiple_of3A_27, %dma_wait3A_36] : memref<2048x1024xf32, #tpu.memory_space<hbm>> -> memref<32x1024xf32, #tpu.memory_space<hbm>>
    %dma_wait3A_38 = arith.constant 0 : i32
    %dma_wait3A_39 = tpu.memref_slice %arg4[%multiple_of3A_27, %dma_wait3A_38] : memref<2048x1024xf32, #tpu.memory_space<hbm>> -> memref<32x1024xf32, #tpu.memory_space<hbm>>
    tpu.wait_dma2 semaphore(%arg10 : memref<!tpu.dma_semaphore, #tpu.memory_space<semaphore_mem>>) src(%arg8 : memref<32x1024xf32, #tpu.memory_space<vmem>>) dst(%dma_wait3A_39 : memref<32x1024xf32, #tpu.memory_space<hbm>>)
    return
  }
}

#map = affine_map<(d0, d1) -> (0)>
#map1 = affine_map<(d0, d1) -> (0, 0)>
module attributes {stable_mosaic.version = 14 : i64} {
  func.func @body(%arg0: i32, %arg1: i32, %arg2: memref<2048xi32, #tpu.memory_space<hbm>>, %arg3: memref<128100x1024xf32, #tpu.memory_space<hbm>>, %arg4: memref<2048x1024xf32, #tpu.memory_space<hbm>>, %arg5: memref<32xi32, #tpu.memory_space<vmem>>, %arg6: memref<32xi32, #tpu.memory_space<vmem>>, %arg7: memref<32x1024xf32, #tpu.memory_space<vmem>>, %arg8: memref<32x1024xf32, #tpu.memory_space<vmem>>, %arg9: memref<!tpu.dma_semaphore, #tpu.memory_space<semaphore_mem>>, %arg10: memref<!tpu.dma_semaphore, #tpu.memory_space<semaphore_mem>>) attributes {dimension_semantics = [#tpu.dimension_semantics<core_parallel>, #tpu.dimension_semantics<subcore_parallel>], iteration_bounds = array<i64: 2, 16>, scalar_prefetch = 0 : i64, scratch_operands = 6 : i64, tpu.core_type = #tpu.core_type<sc_vector_subcore>, window_params = [{transform_indices = #map}, {transform_indices = #map1}, {transform_indices = #map1}]} {
    %mul3A = arith.constant 2 : i32
    %mul3A_0 = arith.muli %arg1, %mul3A : i32
    %add3A = arith.addi %mul3A_0, %arg0 : i32
    %mul3A_1 = arith.constant 64 : i32
    %mul3A_2 = arith.muli %add3A, %mul3A_1 : i32
    %add3A_3 = arith.constant 0 : i32
    %add3A_4 = arith.addi %mul3A_2, %add3A_3 : i32
    %multiple_of3A = tpu.assume_multiple %add3A_4, 32 : i32
    "tpu.region"() ({
      %run_scoped3A = tpu.sem_alloc : memref<!tpu.dma_semaphore, #tpu.memory_space<semaphore_mem>>
      %dma_start3A_40 = tpu.memref_slice %arg2[%multiple_of3A] : memref<2048xi32, #tpu.memory_space<hbm>> -> memref<32xi32, #tpu.memory_space<hbm>>
      %dma_start3A_41 = tpu.memref_slice %arg2[%multiple_of3A] : memref<2048xi32, #tpu.memory_space<hbm>> -> memref<32xi32, #tpu.memory_space<hbm>>
      tpu.enqueue_dma source(%dma_start3A_41 : memref<32xi32, #tpu.memory_space<hbm>>) target(%arg5 : memref<32xi32, #tpu.memory_space<vmem>>) target_semaphore(%run_scoped3A : memref<!tpu.dma_semaphore, #tpu.memory_space<semaphore_mem>>)
      %dma_wait3A_42 = tpu.memref_slice %arg2[%multiple_of3A] : memref<2048xi32, #tpu.memory_space<hbm>> -> memref<32xi32, #tpu.memory_space<hbm>>
      %dma_wait3A_43 = tpu.memref_slice %arg2[%multiple_of3A] : memref<2048xi32, #tpu.memory_space<hbm>> -> memref<32xi32, #tpu.memory_space<hbm>>
      tpu.wait_dma2 semaphore(%run_scoped3A : memref<!tpu.dma_semaphore, #tpu.memory_space<semaphore_mem>>) src(%dma_wait3A_43 : memref<32xi32, #tpu.memory_space<hbm>>) dst(%arg5 : memref<32xi32, #tpu.memory_space<vmem>>)
      tpu.yield
    }) : () -> ()
    %dma_start3A = arith.constant 0 : i32
    %dma_start3A_5 = arith.constant 0 : i32
    %dma_start3A_6 = tpu.memref_slice %arg3[%dma_start3A, %dma_start3A_5] : memref<128100x1024xf32, #tpu.memory_space<hbm>> -> memref<128100x1024xf32, #tpu.memory_space<hbm>>
    tpu.enqueue_indirect_dma source(%dma_start3A_6 : memref<128100x1024xf32, #tpu.memory_space<hbm>>) target(%arg7 : memref<32x1024xf32, #tpu.memory_space<vmem>>) offsets(%arg5 : memref<32xi32, #tpu.memory_space<vmem>>) semaphore(%arg9 : memref<!tpu.dma_semaphore, #tpu.memory_space<semaphore_mem>>)
    %add3A_7 = arith.constant 32 : i32
    %add3A_8 = arith.addi %mul3A_2, %add3A_7 : i32
    %multiple_of3A_9 = tpu.assume_multiple %add3A_8, 32 : i32
    "tpu.region"() ({
      %run_scoped3A = tpu.sem_alloc : memref<!tpu.dma_semaphore, #tpu.memory_space<semaphore_mem>>
      %dma_start3A_40 = tpu.memref_slice %arg2[%multiple_of3A_9] : memref<2048xi32, #tpu.memory_space<hbm>> -> memref<32xi32, #tpu.memory_space<hbm>>
      %dma_start3A_41 = tpu.memref_slice %arg2[%multiple_of3A_9] : memref<2048xi32, #tpu.memory_space<hbm>> -> memref<32xi32, #tpu.memory_space<hbm>>
      tpu.enqueue_dma source(%dma_start3A_41 : memref<32xi32, #tpu.memory_space<hbm>>) target(%arg6 : memref<32xi32, #tpu.memory_space<vmem>>) target_semaphore(%run_scoped3A : memref<!tpu.dma_semaphore, #tpu.memory_space<semaphore_mem>>)
      %dma_wait3A_42 = tpu.memref_slice %arg2[%multiple_of3A_9] : memref<2048xi32, #tpu.memory_space<hbm>> -> memref<32xi32, #tpu.memory_space<hbm>>
      %dma_wait3A_43 = tpu.memref_slice %arg2[%multiple_of3A_9] : memref<2048xi32, #tpu.memory_space<hbm>> -> memref<32xi32, #tpu.memory_space<hbm>>
      tpu.wait_dma2 semaphore(%run_scoped3A : memref<!tpu.dma_semaphore, #tpu.memory_space<semaphore_mem>>) src(%dma_wait3A_43 : memref<32xi32, #tpu.memory_space<hbm>>) dst(%arg6 : memref<32xi32, #tpu.memory_space<vmem>>)
      tpu.yield
    }) : () -> ()
    %dma_start3A_10 = arith.constant 0 : i32
    %dma_start3A_11 = arith.constant 0 : i32
    %dma_start3A_12 = tpu.memref_slice %arg3[%dma_start3A_10, %dma_start3A_11] : memref<128100x1024xf32, #tpu.memory_space<hbm>> -> memref<128100x1024xf32, #tpu.memory_space<hbm>>
    tpu.enqueue_indirect_dma source(%dma_start3A_12 : memref<128100x1024xf32, #tpu.memory_space<hbm>>) target(%arg8 : memref<32x1024xf32, #tpu.memory_space<vmem>>) offsets(%arg6 : memref<32xi32, #tpu.memory_space<vmem>>) semaphore(%arg10 : memref<!tpu.dma_semaphore, #tpu.memory_space<semaphore_mem>>)
    %dma_wait3A = arith.constant 0 : i32
    %dma_wait3A_13 = arith.constant 0 : i32
    %dma_wait3A_14 = tpu.memref_slice %arg3[%dma_wait3A, %dma_wait3A_13] : memref<128100x1024xf32, #tpu.memory_space<hbm>> -> memref<128100x1024xf32, #tpu.memory_space<hbm>>
    tpu.wait_indirect_dma semaphore(%arg9 : memref<!tpu.dma_semaphore, #tpu.memory_space<semaphore_mem>>) src(%dma_wait3A_14 : memref<128100x1024xf32, #tpu.memory_space<hbm>>) dst(%arg7 : memref<32x1024xf32, #tpu.memory_space<vmem>>)
    %add3A_15 = arith.constant 0 : i32
    %add3A_16 = arith.addi %mul3A_2, %add3A_15 : i32
    %multiple_of3A_17 = tpu.assume_multiple %add3A_16, 32 : i32
    %dma_start3A_18 = arith.constant 0 : i32
    %dma_start3A_19 = tpu.memref_slice %arg4[%multiple_of3A_17, %dma_start3A_18] : memref<2048x1024xf32, #tpu.memory_space<hbm>> -> memref<32x1024xf32, #tpu.memory_space<hbm>>
    %dma_start3A_20 = arith.constant 0 : i32
    %dma_start3A_21 = tpu.memref_slice %arg4[%multiple_of3A_17, %dma_start3A_20] : memref<2048x1024xf32, #tpu.memory_space<hbm>> -> memref<32x1024xf32, #tpu.memory_space<hbm>>
    tpu.enqueue_dma source(%arg7 : memref<32x1024xf32, #tpu.memory_space<vmem>>) target(%dma_start3A_21 : memref<32x1024xf32, #tpu.memory_space<hbm>>) target_semaphore(%arg9 : memref<!tpu.dma_semaphore, #tpu.memory_space<semaphore_mem>>)
    %dma_wait3A_22 = arith.constant 0 : i32
    %dma_wait3A_23 = arith.constant 0 : i32
    %dma_wait3A_24 = tpu.memref_slice %arg3[%dma_wait3A_22, %dma_wait3A_23] : memref<128100x1024xf32, #tpu.memory_space<hbm>> -> memref<128100x1024xf32, #tpu.memory_space<hbm>>
    tpu.wait_indirect_dma semaphore(%arg10 : memref<!tpu.dma_semaphore, #tpu.memory_space<semaphore_mem>>) src(%dma_wait3A_24 : memref<128100x1024xf32, #tpu.memory_space<hbm>>) dst(%arg8 : memref<32x1024xf32, #tpu.memory_space<vmem>>)
    %add3A_25 = arith.constant 32 : i32
    %add3A_26 = arith.addi %mul3A_2, %add3A_25 : i32
    %multiple_of3A_27 = tpu.assume_multiple %add3A_26, 32 : i32
    %dma_start3A_28 = arith.constant 0 : i32
    %dma_start3A_29 = tpu.memref_slice %arg4[%multiple_of3A_27, %dma_start3A_28] : memref<2048x1024xf32, #tpu.memory_space<hbm>> -> memref<32x1024xf32, #tpu.memory_space<hbm>>
    %dma_start3A_30 = arith.constant 0 : i32
    %dma_start3A_31 = tpu.memref_slice %arg4[%multiple_of3A_27, %dma_start3A_30] : memref<2048x1024xf32, #tpu.memory_space<hbm>> -> memref<32x1024xf32, #tpu.memory_space<hbm>>
    tpu.enqueue_dma source(%arg8 : memref<32x1024xf32, #tpu.memory_space<vmem>>) target(%dma_start3A_31 : memref<32x1024xf32, #tpu.memory_space<hbm>>) target_semaphore(%arg10 : memref<!tpu.dma_semaphore, #tpu.memory_space<semaphore_mem>>)
    %dma_wait3A_32 = arith.constant 0 : i32
    %dma_wait3A_33 = tpu.memref_slice %arg4[%multiple_of3A_17, %dma_wait3A_32] : memref<2048x1024xf32, #tpu.memory_space<hbm>> -> memref<32x1024xf32, #tpu.memory_space<hbm>>
    %dma_wait3A_34 = arith.constant 0 : i32
    %dma_wait3A_35 = tpu.memref_slice %arg4[%multiple_of3A_17, %dma_wait3A_34] : memref<2048x1024xf32, #tpu.memory_space<hbm>> -> memref<32x1024xf32, #tpu.memory_space<hbm>>
    tpu.wait_dma2 semaphore(%arg9 : memref<!tpu.dma_semaphore, #tpu.memory_space<semaphore_mem>>) src(%arg7 : memref<32x1024xf32, #tpu.memory_space<vmem>>) dst(%dma_wait3A_35 : memref<32x1024xf32, #tpu.memory_space<hbm>>)
    %dma_wait3A_36 = arith.constant 0 : i32
    %dma_wait3A_37 = tpu.memref_slice %arg4[%multiple_of3A_27, %dma_wait3A_36] : memref<2048x1024xf32, #tpu.memory_space<hbm>> -> memref<32x1024xf32, #tpu.memory_space<hbm>>
    %dma_wait3A_38 = arith.constant 0 : i32
    %dma_wait3A_39 = tpu.memref_slice %arg4[%multiple_of3A_27, %dma_wait3A_38] : memref<2048x1024xf32, #tpu.memory_space<hbm>> -> memref<32x1024xf32, #tpu.memory_space<hbm>>
    tpu.wait_dma2 semaphore(%arg10 : memref<!tpu.dma_semaphore, #tpu.memory_space<semaphore_mem>>) src(%arg8 : memref<32x1024xf32, #tpu.memory_space<vmem>>) dst(%dma_wait3A_39 : memref<32x1024xf32, #tpu.memory_space<hbm>>)
    return
  }
}

module attributes {stable_mosaic.version = 14 : i64} {
  func.func @body(%arg0: i32, %arg1: i32, %arg2: memref<512x1024xf32, #tpu.memory_space<vmem>>, %arg3: memref<512x1024xf32, #tpu.memory_space<vmem>>, %arg4: memref<1x1024xf32, #tpu.memory_space<vmem>>, %arg5: memref<1x1024xf32, #tpu.memory_space<vmem>>, %arg6: memref<512x1xf32, #tpu.memory_space<vmem>>, %arg7: memref<512x1024xf32, #tpu.memory_space<vmem>>) attributes {dimension_semantics = [#tpu.dimension_semantics<arbitrary>, #tpu.dimension_semantics<arbitrary>], iteration_bounds = array<i64: 1, 4>, scalar_prefetch = 0 : i64, scratch_operands = 0 : i64, tpu.core_type = #tpu.core_type<tc>, window_params = [{transform_indices = @transform_0, window_bounds = array<i64: 512, 1024>}, {transform_indices = @transform_1, window_bounds = array<i64: 512, 1024>}, {pipeline_mode = #tpu.pipeline_mode<synchronous>, transform_indices = @transform_2, window_bounds = array<i64: 1, 1024>}, {pipeline_mode = #tpu.pipeline_mode<synchronous>, transform_indices = @transform_3, window_bounds = array<i64: 1, 1024>}, {transform_indices = @transform_4, window_bounds = array<i64: 512, 1>}, {transform_indices = @transform_5, window_bounds = array<i64: 512, 1024>}]} {
    %get3A = arith.constant 0 : index
    %get3A_0 = arith.constant 0 : index
    %get3A_1 = vector.load %arg2[%get3A, %get3A_0] : memref<512x1024xf32, #tpu.memory_space<vmem>>, vector<512x1024xf32>
    %get3A_2 = arith.constant 0 : index
    %get3A_3 = arith.constant 0 : index
    %get3A_4 = vector.load %arg3[%get3A_2, %get3A_3] : memref<512x1024xf32, #tpu.memory_space<vmem>>, vector<512x1024xf32>
    %add3A = arith.addf %get3A_1, %get3A_4 : vector<512x1024xf32>
    %reduce_sum3A = arith.constant dense<0.000000e+00> : vector<512xf32>
    %reduce_sum3A_5 = vector.multi_reduction <add>, %add3A, %reduce_sum3A [1] : vector<512x1024xf32> to vector<512xf32>
    %broadcast_in_dim3A = vector.shape_cast %reduce_sum3A_5 : vector<512xf32> to vector<512x1xf32>
    %div3A = arith.constant 1.024000e+03 : f32
    %div3A_6 = vector.broadcast %div3A : f32 to vector<512x1xf32>
    %div3A_7 = arith.divf %broadcast_in_dim3A, %div3A_6 : vector<512x1xf32>
    %sub3A = vector.broadcast %div3A_7 : vector<512x1xf32> to vector<512x1024xf32>
    %sub3A_8 = arith.subf %add3A, %sub3A : vector<512x1024xf32>
    %sub3A_9 = vector.broadcast %div3A_7 : vector<512x1xf32> to vector<512x1024xf32>
    %sub3A_10 = arith.subf %add3A, %sub3A_9 : vector<512x1024xf32>
    %mul3A = arith.mulf %sub3A_8, %sub3A_10 : vector<512x1024xf32>
    %reduce_sum3A_11 = arith.constant dense<0.000000e+00> : vector<512xf32>
    %reduce_sum3A_12 = vector.multi_reduction <add>, %mul3A, %reduce_sum3A_11 [1] : vector<512x1024xf32> to vector<512xf32>
    %broadcast_in_dim3A_13 = vector.shape_cast %reduce_sum3A_12 : vector<512xf32> to vector<512x1xf32>
    %div3A_14 = arith.constant 1.024000e+03 : f32
    %div3A_15 = vector.broadcast %div3A_14 : f32 to vector<512x1xf32>
    %div3A_16 = arith.divf %broadcast_in_dim3A_13, %div3A_15 : vector<512x1xf32>
    %sub3A_17 = vector.broadcast %div3A_7 : vector<512x1xf32> to vector<512x1024xf32>
    %sub3A_18 = arith.subf %add3A, %sub3A_17 : vector<512x1024xf32>
    %add3A_19 = arith.constant 1.000000e-07 : f32
    %add3A_20 = vector.broadcast %add3A_19 : f32 to vector<512x1xf32>
    %add3A_21 = arith.addf %div3A_16, %add3A_20 : vector<512x1xf32>
    %rsqrt3A = math.rsqrt %add3A_21 : vector<512x1xf32>
    %mul3A_22 = vector.broadcast %rsqrt3A : vector<512x1xf32> to vector<512x1024xf32>
    %mul3A_23 = arith.mulf %sub3A_18, %mul3A_22 : vector<512x1024xf32>
    %get3A_24 = arith.constant 0 : index
    %get3A_25 = arith.constant 0 : index
    %get3A_26 = vector.load %arg4[%get3A_24, %get3A_25] : memref<1x1024xf32, #tpu.memory_space<vmem>>, vector<1x1024xf32>
    %mul3A_27 = vector.broadcast %get3A_26 : vector<1x1024xf32> to vector<512x1024xf32>
    %mul3A_28 = arith.mulf %mul3A_23, %mul3A_27 : vector<512x1024xf32>
    %get3A_29 = arith.constant 0 : index
    %get3A_30 = arith.constant 0 : index
    %get3A_31 = vector.load %arg5[%get3A_29, %get3A_30] : memref<1x1024xf32, #tpu.memory_space<vmem>>, vector<1x1024xf32>
    %add3A_32 = vector.broadcast %get3A_31 : vector<1x1024xf32> to vector<512x1024xf32>
    %add3A_33 = arith.addf %mul3A_28, %add3A_32 : vector<512x1024xf32>
    %get3A_34 = arith.constant 0 : index
    %get3A_35 = arith.constant 0 : index
    %get3A_36 = vector.load %arg6[%get3A_34, %get3A_35] : memref<512x1xf32, #tpu.memory_space<vmem>>, vector<512x1xf32>
    %mul3A_37 = vector.broadcast %get3A_36 : vector<512x1xf32> to vector<512x1024xf32>
    %mul3A_38 = arith.mulf %add3A_33, %mul3A_37 : vector<512x1024xf32>
    %swap3A = arith.constant 0 : index
    %swap3A_39 = arith.constant 0 : index
    %swap3A_40 = vector.load %arg7[%swap3A, %swap3A_39] : memref<512x1024xf32, #tpu.memory_space<vmem>>, vector<512x1024xf32>
    tpu.vector_store %arg7[%swap3A, %swap3A_39], %mul3A_38 {strides = array<i32>} : memref<512x1024xf32, #tpu.memory_space<vmem>>, vector<512x1024xf32>,
    return
  }
  func.func @transform_0(%arg0: i32, %arg1: i32) -> (i32, i32) {
    %mul3A = arith.constant 1 : i32
    %mul3A_0 = arith.muli %arg1, %mul3A : i32
    %add3A = arith.addi %mul3A_0, %arg0 : i32
    %c0_i32 = arith.constant 0 : i32
    %c0_i32_1 = arith.constant 0 : i32
    return %add3A, %c0_i32 : i32, i32
  }
  func.func @transform_1(%arg0: i32, %arg1: i32) -> (i32, i32) {
    %add3A = arith.constant 0 : i32
    %add3A_0 = arith.addi %add3A, %arg0 : i32
    %c0_i32 = arith.constant 0 : i32
    %c0_i32_1 = arith.constant 0 : i32
    return %add3A_0, %c0_i32 : i32, i32
  }
  func.func @transform_2(%arg0: i32, %arg1: i32) -> (i32, i32) {
    %c0_i32 = arith.constant 0 : i32
    %c0_i32_0 = arith.constant 0 : i32
    %c0_i32_1 = arith.constant 0 : i32
    return %c0_i32, %c0_i32_0 : i32, i32
  }
  func.func @transform_3(%arg0: i32, %arg1: i32) -> (i32, i32) {
    %c0_i32 = arith.constant 0 : i32
    %c0_i32_0 = arith.constant 0 : i32
    %c0_i32_1 = arith.constant 0 : i32
    return %c0_i32, %c0_i32_0 : i32, i32
  }
  func.func @transform_4(%arg0: i32, %arg1: i32) -> (i32, i32) {
    %mul3A = arith.constant 4 : i32
    %mul3A_0 = arith.muli %arg1, %mul3A : i32
    %add3A = arith.constant 0 : i32
    %add3A_1 = arith.addi %mul3A_0, %add3A : i32
    %add3A_2 = arith.addi %add3A_1, %arg0 : i32
    %c0_i32 = arith.constant 0 : i32
    %c0_i32_3 = arith.constant 0 : i32
    return %add3A_2, %c0_i32 : i32, i32
  }
  func.func @transform_5(%arg0: i32, %arg1: i32) -> (i32, i32) {
    %mul3A = arith.constant 4 : i32
    %mul3A_0 = arith.muli %arg1, %mul3A : i32
    %add3A = arith.constant 0 : i32
    %add3A_1 = arith.addi %mul3A_0, %add3A : i32
    %add3A_2 = arith.addi %add3A_1, %arg0 : i32
    %c0_i32 = arith.constant 0 : i32
    %c0_i32_3 = arith.constant 0 : i32
    return %add3A_2, %c0_i32 : i32, i32
  }
}

module attributes {stable_mosaic.version = 14 : i64} {
  func.func @body(%arg0: i32, %arg1: i32, %arg2: memref<512x1024xf32, #tpu.memory_space<vmem>>, %arg3: memref<512x1024xf32, #tpu.memory_space<vmem>>, %arg4: memref<1x1024xf32, #tpu.memory_space<vmem>>, %arg5: memref<1x1024xf32, #tpu.memory_space<vmem>>, %arg6: memref<512x1xf32, #tpu.memory_space<vmem>>, %arg7: memref<8192x1024xf32, #tpu.memory_space<hbm>>, %arg8: memref<512x1024xf32, #tpu.memory_space<vmem>>) attributes {dimension_semantics = [#tpu.dimension_semantics<arbitrary>, #tpu.dimension_semantics<arbitrary>], iteration_bounds = array<i64: 1, 4>, scalar_prefetch = 0 : i64, scratch_operands = 0 : i64, tpu.core_type = #tpu.core_type<tc>, window_params = [{transform_indices = @transform_0, window_bounds = array<i64: 512, 1024>}, {transform_indices = @transform_1, window_bounds = array<i64: 512, 1024>}, {pipeline_mode = #tpu.pipeline_mode<synchronous>, transform_indices = @transform_2, window_bounds = array<i64: 1, 1024>}, {pipeline_mode = #tpu.pipeline_mode<synchronous>, transform_indices = @transform_3, window_bounds = array<i64: 1, 1024>}, {transform_indices = @transform_4, window_bounds = array<i64: 512, 1>}, {}, {transform_indices = @transform_6, window_bounds = array<i64: 512, 1024>}]} {
    %get3A = arith.constant 0 : index
    %get3A_0 = arith.constant 0 : index
    %get3A_1 = vector.load %arg2[%get3A, %get3A_0] : memref<512x1024xf32, #tpu.memory_space<vmem>>, vector<512x1024xf32>
    %get3A_2 = arith.constant 0 : index
    %get3A_3 = arith.constant 0 : index
    %get3A_4 = vector.load %arg3[%get3A_2, %get3A_3] : memref<512x1024xf32, #tpu.memory_space<vmem>>, vector<512x1024xf32>
    %add3A = arith.addf %get3A_1, %get3A_4 : vector<512x1024xf32>
    %reduce_sum3A = arith.constant dense<0.000000e+00> : vector<512xf32>
    %reduce_sum3A_5 = vector.multi_reduction <add>, %add3A, %reduce_sum3A [1] : vector<512x1024xf32> to vector<512xf32>
    %broadcast_in_dim3A = vector.shape_cast %reduce_sum3A_5 : vector<512xf32> to vector<512x1xf32>
    %div3A = arith.constant 1.024000e+03 : f32
    %div3A_6 = vector.broadcast %div3A : f32 to vector<512x1xf32>
    %div3A_7 = arith.divf %broadcast_in_dim3A, %div3A_6 : vector<512x1xf32>
    %sub3A = vector.broadcast %div3A_7 : vector<512x1xf32> to vector<512x1024xf32>
    %sub3A_8 = arith.subf %add3A, %sub3A : vector<512x1024xf32>
    %sub3A_9 = vector.broadcast %div3A_7 : vector<512x1xf32> to vector<512x1024xf32>
    %sub3A_10 = arith.subf %add3A, %sub3A_9 : vector<512x1024xf32>
    %mul3A = arith.mulf %sub3A_8, %sub3A_10 : vector<512x1024xf32>
    %reduce_sum3A_11 = arith.constant dense<0.000000e+00> : vector<512xf32>
    %reduce_sum3A_12 = vector.multi_reduction <add>, %mul3A, %reduce_sum3A_11 [1] : vector<512x1024xf32> to vector<512xf32>
    %broadcast_in_dim3A_13 = vector.shape_cast %reduce_sum3A_12 : vector<512xf32> to vector<512x1xf32>
    %div3A_14 = arith.constant 1.024000e+03 : f32
    %div3A_15 = vector.broadcast %div3A_14 : f32 to vector<512x1xf32>
    %div3A_16 = arith.divf %broadcast_in_dim3A_13, %div3A_15 : vector<512x1xf32>
    %sub3A_17 = vector.broadcast %div3A_7 : vector<512x1xf32> to vector<512x1024xf32>
    %sub3A_18 = arith.subf %add3A, %sub3A_17 : vector<512x1024xf32>
    %add3A_19 = arith.constant 1.000000e-07 : f32
    %add3A_20 = vector.broadcast %add3A_19 : f32 to vector<512x1xf32>
    %add3A_21 = arith.addf %div3A_16, %add3A_20 : vector<512x1xf32>
    %rsqrt3A = math.rsqrt %add3A_21 : vector<512x1xf32>
    %mul3A_22 = vector.broadcast %rsqrt3A : vector<512x1xf32> to vector<512x1024xf32>
    %mul3A_23 = arith.mulf %sub3A_18, %mul3A_22 : vector<512x1024xf32>
    %get3A_24 = arith.constant 0 : index
    %get3A_25 = arith.constant 0 : index
    %get3A_26 = vector.load %arg4[%get3A_24, %get3A_25] : memref<1x1024xf32, #tpu.memory_space<vmem>>, vector<1x1024xf32>
    %mul3A_27 = vector.broadcast %get3A_26 : vector<1x1024xf32> to vector<512x1024xf32>
    %mul3A_28 = arith.mulf %mul3A_23, %mul3A_27 : vector<512x1024xf32>
    %get3A_29 = arith.constant 0 : index
    %get3A_30 = arith.constant 0 : index
    %get3A_31 = vector.load %arg5[%get3A_29, %get3A_30] : memref<1x1024xf32, #tpu.memory_space<vmem>>, vector<1x1024xf32>
    %add3A_32 = vector.broadcast %get3A_31 : vector<1x1024xf32> to vector<512x1024xf32>
    %add3A_33 = arith.addf %mul3A_28, %add3A_32 : vector<512x1024xf32>
    %get3A_34 = arith.constant 0 : index
    %get3A_35 = arith.constant 0 : index
    %get3A_36 = vector.load %arg6[%get3A_34, %get3A_35] : memref<512x1xf32, #tpu.memory_space<vmem>>, vector<512x1xf32>
    %mul3A_37 = vector.broadcast %get3A_36 : vector<512x1xf32> to vector<512x1024xf32>
    %mul3A_38 = arith.mulf %add3A_33, %mul3A_37 : vector<512x1024xf32>
    %swap3A = arith.constant 0 : index
    %swap3A_39 = arith.constant 0 : index
    %swap3A_40 = vector.load %arg8[%swap3A, %swap3A_39] : memref<512x1024xf32, #tpu.memory_space<vmem>>, vector<512x1024xf32>
    tpu.vector_store %arg8[%swap3A, %swap3A_39], %mul3A_38 {strides = array<i32>} : memref<512x1024xf32, #tpu.memory_space<vmem>>, vector<512x1024xf32>,
    return
  }
  func.func @transform_0(%arg0: i32, %arg1: i32) -> (i32, i32) {
    %mul3A = arith.constant 1 : i32
    %mul3A_0 = arith.muli %arg1, %mul3A : i32
    %add3A = arith.addi %mul3A_0, %arg0 : i32
    %c0_i32 = arith.constant 0 : i32
    %c0_i32_1 = arith.constant 0 : i32
    return %add3A, %c0_i32 : i32, i32
  }
  func.func @transform_1(%arg0: i32, %arg1: i32) -> (i32, i32) {
    %add3A = arith.constant 2 : i32
    %add3A_0 = arith.addi %add3A, %arg0 : i32
    %c0_i32 = arith.constant 0 : i32
    %c0_i32_1 = arith.constant 0 : i32
    return %add3A_0, %c0_i32 : i32, i32
  }
  func.func @transform_2(%arg0: i32, %arg1: i32) -> (i32, i32) {
    %c0_i32 = arith.constant 0 : i32
    %c0_i32_0 = arith.constant 0 : i32
    %c0_i32_1 = arith.constant 0 : i32
    return %c0_i32, %c0_i32_0 : i32, i32
  }
  func.func @transform_3(%arg0: i32, %arg1: i32) -> (i32, i32) {
    %c0_i32 = arith.constant 0 : i32
    %c0_i32_0 = arith.constant 0 : i32
    %c0_i32_1 = arith.constant 0 : i32
    return %c0_i32, %c0_i32_0 : i32, i32
  }
  func.func @transform_4(%arg0: i32, %arg1: i32) -> (i32, i32) {
    %mul3A = arith.constant 4 : i32
    %mul3A_0 = arith.muli %arg1, %mul3A : i32
    %add3A = arith.constant 2 : i32
    %add3A_1 = arith.addi %mul3A_0, %add3A : i32
    %add3A_2 = arith.addi %add3A_1, %arg0 : i32
    %c0_i32 = arith.constant 0 : i32
    %c0_i32_3 = arith.constant 0 : i32
    return %add3A_2, %c0_i32 : i32, i32
  }
  func.func @transform_6(%arg0: i32, %arg1: i32) -> (i32, i32) {
    %mul3A = arith.constant 4 : i32
    %mul3A_0 = arith.muli %arg1, %mul3A : i32
    %add3A = arith.constant 2 : i32
    %add3A_1 = arith.addi %mul3A_0, %add3A : i32
    %add3A_2 = arith.addi %add3A_1, %arg0 : i32
    %c0_i32 = arith.constant 0 : i32
    %c0_i32_3 = arith.constant 0 : i32
    return %add3A_2, %c0_i32 : i32, i32
  }
}

module attributes {stable_mosaic.version = 14 : i64} {
  func.func @body(%arg0: i32, %arg1: i32, %arg2: memref<512x1024xf32, #tpu.memory_space<vmem>>, %arg3: memref<512x1024xf32, #tpu.memory_space<vmem>>, %arg4: memref<1x1024xf32, #tpu.memory_space<vmem>>, %arg5: memref<1x1024xf32, #tpu.memory_space<vmem>>, %arg6: memref<512x1xf32, #tpu.memory_space<vmem>>, %arg7: memref<8192x1024xf32, #tpu.memory_space<hbm>>, %arg8: memref<512x1024xf32, #tpu.memory_space<vmem>>) attributes {dimension_semantics = [#tpu.dimension_semantics<arbitrary>, #tpu.dimension_semantics<arbitrary>], iteration_bounds = array<i64: 1, 4>, scalar_prefetch = 0 : i64, scratch_operands = 0 : i64, tpu.core_type = #tpu.core_type<tc>, window_params = [{transform_indices = @transform_0, window_bounds = array<i64: 512, 1024>}, {transform_indices = @transform_1, window_bounds = array<i64: 512, 1024>}, {pipeline_mode = #tpu.pipeline_mode<synchronous>, transform_indices = @transform_2, window_bounds = array<i64: 1, 1024>}, {pipeline_mode = #tpu.pipeline_mode<synchronous>, transform_indices = @transform_3, window_bounds = array<i64: 1, 1024>}, {transform_indices = @transform_4, window_bounds = array<i64: 512, 1>}, {}, {transform_indices = @transform_6, window_bounds = array<i64: 512, 1024>}]} {
    %get3A = arith.constant 0 : index
    %get3A_0 = arith.constant 0 : index
    %get3A_1 = vector.load %arg2[%get3A, %get3A_0] : memref<512x1024xf32, #tpu.memory_space<vmem>>, vector<512x1024xf32>
    %get3A_2 = arith.constant 0 : index
    %get3A_3 = arith.constant 0 : index
    %get3A_4 = vector.load %arg3[%get3A_2, %get3A_3] : memref<512x1024xf32, #tpu.memory_space<vmem>>, vector<512x1024xf32>
    %add3A = arith.addf %get3A_1, %get3A_4 : vector<512x1024xf32>
    %reduce_sum3A = arith.constant dense<0.000000e+00> : vector<512xf32>
    %reduce_sum3A_5 = vector.multi_reduction <add>, %add3A, %reduce_sum3A [1] : vector<512x1024xf32> to vector<512xf32>
    %broadcast_in_dim3A = vector.shape_cast %reduce_sum3A_5 : vector<512xf32> to vector<512x1xf32>
    %div3A = arith.constant 1.024000e+03 : f32
    %div3A_6 = vector.broadcast %div3A : f32 to vector<512x1xf32>
    %div3A_7 = arith.divf %broadcast_in_dim3A, %div3A_6 : vector<512x1xf32>
    %sub3A = vector.broadcast %div3A_7 : vector<512x1xf32> to vector<512x1024xf32>
    %sub3A_8 = arith.subf %add3A, %sub3A : vector<512x1024xf32>
    %sub3A_9 = vector.broadcast %div3A_7 : vector<512x1xf32> to vector<512x1024xf32>
    %sub3A_10 = arith.subf %add3A, %sub3A_9 : vector<512x1024xf32>
    %mul3A = arith.mulf %sub3A_8, %sub3A_10 : vector<512x1024xf32>
    %reduce_sum3A_11 = arith.constant dense<0.000000e+00> : vector<512xf32>
    %reduce_sum3A_12 = vector.multi_reduction <add>, %mul3A, %reduce_sum3A_11 [1] : vector<512x1024xf32> to vector<512xf32>
    %broadcast_in_dim3A_13 = vector.shape_cast %reduce_sum3A_12 : vector<512xf32> to vector<512x1xf32>
    %div3A_14 = arith.constant 1.024000e+03 : f32
    %div3A_15 = vector.broadcast %div3A_14 : f32 to vector<512x1xf32>
    %div3A_16 = arith.divf %broadcast_in_dim3A_13, %div3A_15 : vector<512x1xf32>
    %sub3A_17 = vector.broadcast %div3A_7 : vector<512x1xf32> to vector<512x1024xf32>
    %sub3A_18 = arith.subf %add3A, %sub3A_17 : vector<512x1024xf32>
    %add3A_19 = arith.constant 1.000000e-07 : f32
    %add3A_20 = vector.broadcast %add3A_19 : f32 to vector<512x1xf32>
    %add3A_21 = arith.addf %div3A_16, %add3A_20 : vector<512x1xf32>
    %rsqrt3A = math.rsqrt %add3A_21 : vector<512x1xf32>
    %mul3A_22 = vector.broadcast %rsqrt3A : vector<512x1xf32> to vector<512x1024xf32>
    %mul3A_23 = arith.mulf %sub3A_18, %mul3A_22 : vector<512x1024xf32>
    %get3A_24 = arith.constant 0 : index
    %get3A_25 = arith.constant 0 : index
    %get3A_26 = vector.load %arg4[%get3A_24, %get3A_25] : memref<1x1024xf32, #tpu.memory_space<vmem>>, vector<1x1024xf32>
    %mul3A_27 = vector.broadcast %get3A_26 : vector<1x1024xf32> to vector<512x1024xf32>
    %mul3A_28 = arith.mulf %mul3A_23, %mul3A_27 : vector<512x1024xf32>
    %get3A_29 = arith.constant 0 : index
    %get3A_30 = arith.constant 0 : index
    %get3A_31 = vector.load %arg5[%get3A_29, %get3A_30] : memref<1x1024xf32, #tpu.memory_space<vmem>>, vector<1x1024xf32>
    %add3A_32 = vector.broadcast %get3A_31 : vector<1x1024xf32> to vector<512x1024xf32>
    %add3A_33 = arith.addf %mul3A_28, %add3A_32 : vector<512x1024xf32>
    %get3A_34 = arith.constant 0 : index
    %get3A_35 = arith.constant 0 : index
    %get3A_36 = vector.load %arg6[%get3A_34, %get3A_35] : memref<512x1xf32, #tpu.memory_space<vmem>>, vector<512x1xf32>
    %mul3A_37 = vector.broadcast %get3A_36 : vector<512x1xf32> to vector<512x1024xf32>
    %mul3A_38 = arith.mulf %add3A_33, %mul3A_37 : vector<512x1024xf32>
    %swap3A = arith.constant 0 : index
    %swap3A_39 = arith.constant 0 : index
    %swap3A_40 = vector.load %arg8[%swap3A, %swap3A_39] : memref<512x1024xf32, #tpu.memory_space<vmem>>, vector<512x1024xf32>
    tpu.vector_store %arg8[%swap3A, %swap3A_39], %mul3A_38 {strides = array<i32>} : memref<512x1024xf32, #tpu.memory_space<vmem>>, vector<512x1024xf32>,
    return
  }
  func.func @transform_0(%arg0: i32, %arg1: i32) -> (i32, i32) {
    %mul3A = arith.constant 1 : i32
    %mul3A_0 = arith.muli %arg1, %mul3A : i32
    %add3A = arith.addi %mul3A_0, %arg0 : i32
    %c0_i32 = arith.constant 0 : i32
    %c0_i32_1 = arith.constant 0 : i32
    return %add3A, %c0_i32 : i32, i32
  }
  func.func @transform_1(%arg0: i32, %arg1: i32) -> (i32, i32) {
    %add3A = arith.constant 1 : i32
    %add3A_0 = arith.addi %add3A, %arg0 : i32
    %c0_i32 = arith.constant 0 : i32
    %c0_i32_1 = arith.constant 0 : i32
    return %add3A_0, %c0_i32 : i32, i32
  }
  func.func @transform_2(%arg0: i32, %arg1: i32) -> (i32, i32) {
    %c0_i32 = arith.constant 0 : i32
    %c0_i32_0 = arith.constant 0 : i32
    %c0_i32_1 = arith.constant 0 : i32
    return %c0_i32, %c0_i32_0 : i32, i32
  }
  func.func @transform_3(%arg0: i32, %arg1: i32) -> (i32, i32) {
    %c0_i32 = arith.constant 0 : i32
    %c0_i32_0 = arith.constant 0 : i32
    %c0_i32_1 = arith.constant 0 : i32
    return %c0_i32, %c0_i32_0 : i32, i32
  }
  func.func @transform_4(%arg0: i32, %arg1: i32) -> (i32, i32) {
    %mul3A = arith.constant 4 : i32
    %mul3A_0 = arith.muli %arg1, %mul3A : i32
    %add3A = arith.constant 1 : i32
    %add3A_1 = arith.addi %mul3A_0, %add3A : i32
    %add3A_2 = arith.addi %add3A_1, %arg0 : i32
    %c0_i32 = arith.constant 0 : i32
    %c0_i32_3 = arith.constant 0 : i32
    return %add3A_2, %c0_i32 : i32, i32
  }
  func.func @transform_6(%arg0: i32, %arg1: i32) -> (i32, i32) {
    %mul3A = arith.constant 4 : i32
    %mul3A_0 = arith.muli %arg1, %mul3A : i32
    %add3A = arith.constant 1 : i32
    %add3A_1 = arith.addi %mul3A_0, %add3A : i32
    %add3A_2 = arith.addi %add3A_1, %arg0 : i32
    %c0_i32 = arith.constant 0 : i32
    %c0_i32_3 = arith.constant 0 : i32
    return %add3A_2, %c0_i32 : i32, i32
  }
}

module attributes {stable_mosaic.version = 14 : i64} {
  func.func @body(%arg0: i32, %arg1: i32, %arg2: memref<512x1024xf32, #tpu.memory_space<vmem>>, %arg3: memref<512x1024xf32, #tpu.memory_space<vmem>>, %arg4: memref<1x1024xf32, #tpu.memory_space<vmem>>, %arg5: memref<1x1024xf32, #tpu.memory_space<vmem>>, %arg6: memref<512x1xf32, #tpu.memory_space<vmem>>, %arg7: memref<8192x1024xf32, #tpu.memory_space<hbm>>, %arg8: memref<512x1024xf32, #tpu.memory_space<vmem>>) attributes {dimension_semantics = [#tpu.dimension_semantics<arbitrary>, #tpu.dimension_semantics<arbitrary>], iteration_bounds = array<i64: 1, 4>, scalar_prefetch = 0 : i64, scratch_operands = 0 : i64, tpu.core_type = #tpu.core_type<tc>, window_params = [{transform_indices = @transform_0, window_bounds = array<i64: 512, 1024>}, {transform_indices = @transform_1, window_bounds = array<i64: 512, 1024>}, {pipeline_mode = #tpu.pipeline_mode<synchronous>, transform_indices = @transform_2, window_bounds = array<i64: 1, 1024>}, {pipeline_mode = #tpu.pipeline_mode<synchronous>, transform_indices = @transform_3, window_bounds = array<i64: 1, 1024>}, {transform_indices = @transform_4, window_bounds = array<i64: 512, 1>}, {}, {transform_indices = @transform_6, window_bounds = array<i64: 512, 1024>}]} {
    %get3A = arith.constant 0 : index
    %get3A_0 = arith.constant 0 : index
    %get3A_1 = vector.load %arg2[%get3A, %get3A_0] : memref<512x1024xf32, #tpu.memory_space<vmem>>, vector<512x1024xf32>
    %get3A_2 = arith.constant 0 : index
    %get3A_3 = arith.constant 0 : index
    %get3A_4 = vector.load %arg3[%get3A_2, %get3A_3] : memref<512x1024xf32, #tpu.memory_space<vmem>>, vector<512x1024xf32>
    %add3A = arith.addf %get3A_1, %get3A_4 : vector<512x1024xf32>
    %reduce_sum3A = arith.constant dense<0.000000e+00> : vector<512xf32>
    %reduce_sum3A_5 = vector.multi_reduction <add>, %add3A, %reduce_sum3A [1] : vector<512x1024xf32> to vector<512xf32>
    %broadcast_in_dim3A = vector.shape_cast %reduce_sum3A_5 : vector<512xf32> to vector<512x1xf32>
    %div3A = arith.constant 1.024000e+03 : f32
    %div3A_6 = vector.broadcast %div3A : f32 to vector<512x1xf32>
    %div3A_7 = arith.divf %broadcast_in_dim3A, %div3A_6 : vector<512x1xf32>
    %sub3A = vector.broadcast %div3A_7 : vector<512x1xf32> to vector<512x1024xf32>
    %sub3A_8 = arith.subf %add3A, %sub3A : vector<512x1024xf32>
    %sub3A_9 = vector.broadcast %div3A_7 : vector<512x1xf32> to vector<512x1024xf32>
    %sub3A_10 = arith.subf %add3A, %sub3A_9 : vector<512x1024xf32>
    %mul3A = arith.mulf %sub3A_8, %sub3A_10 : vector<512x1024xf32>
    %reduce_sum3A_11 = arith.constant dense<0.000000e+00> : vector<512xf32>
    %reduce_sum3A_12 = vector.multi_reduction <add>, %mul3A, %reduce_sum3A_11 [1] : vector<512x1024xf32> to vector<512xf32>
    %broadcast_in_dim3A_13 = vector.shape_cast %reduce_sum3A_12 : vector<512xf32> to vector<512x1xf32>
    %div3A_14 = arith.constant 1.024000e+03 : f32
    %div3A_15 = vector.broadcast %div3A_14 : f32 to vector<512x1xf32>
    %div3A_16 = arith.divf %broadcast_in_dim3A_13, %div3A_15 : vector<512x1xf32>
    %sub3A_17 = vector.broadcast %div3A_7 : vector<512x1xf32> to vector<512x1024xf32>
    %sub3A_18 = arith.subf %add3A, %sub3A_17 : vector<512x1024xf32>
    %add3A_19 = arith.constant 1.000000e-07 : f32
    %add3A_20 = vector.broadcast %add3A_19 : f32 to vector<512x1xf32>
    %add3A_21 = arith.addf %div3A_16, %add3A_20 : vector<512x1xf32>
    %rsqrt3A = math.rsqrt %add3A_21 : vector<512x1xf32>
    %mul3A_22 = vector.broadcast %rsqrt3A : vector<512x1xf32> to vector<512x1024xf32>
    %mul3A_23 = arith.mulf %sub3A_18, %mul3A_22 : vector<512x1024xf32>
    %get3A_24 = arith.constant 0 : index
    %get3A_25 = arith.constant 0 : index
    %get3A_26 = vector.load %arg4[%get3A_24, %get3A_25] : memref<1x1024xf32, #tpu.memory_space<vmem>>, vector<1x1024xf32>
    %mul3A_27 = vector.broadcast %get3A_26 : vector<1x1024xf32> to vector<512x1024xf32>
    %mul3A_28 = arith.mulf %mul3A_23, %mul3A_27 : vector<512x1024xf32>
    %get3A_29 = arith.constant 0 : index
    %get3A_30 = arith.constant 0 : index
    %get3A_31 = vector.load %arg5[%get3A_29, %get3A_30] : memref<1x1024xf32, #tpu.memory_space<vmem>>, vector<1x1024xf32>
    %add3A_32 = vector.broadcast %get3A_31 : vector<1x1024xf32> to vector<512x1024xf32>
    %add3A_33 = arith.addf %mul3A_28, %add3A_32 : vector<512x1024xf32>
    %get3A_34 = arith.constant 0 : index
    %get3A_35 = arith.constant 0 : index
    %get3A_36 = vector.load %arg6[%get3A_34, %get3A_35] : memref<512x1xf32, #tpu.memory_space<vmem>>, vector<512x1xf32>
    %mul3A_37 = vector.broadcast %get3A_36 : vector<512x1xf32> to vector<512x1024xf32>
    %mul3A_38 = arith.mulf %add3A_33, %mul3A_37 : vector<512x1024xf32>
    %swap3A = arith.constant 0 : index
    %swap3A_39 = arith.constant 0 : index
    %swap3A_40 = vector.load %arg8[%swap3A, %swap3A_39] : memref<512x1024xf32, #tpu.memory_space<vmem>>, vector<512x1024xf32>
    tpu.vector_store %arg8[%swap3A, %swap3A_39], %mul3A_38 {strides = array<i32>} : memref<512x1024xf32, #tpu.memory_space<vmem>>, vector<512x1024xf32>,
    return
  }
  func.func @transform_0(%arg0: i32, %arg1: i32) -> (i32, i32) {
    %mul3A = arith.constant 1 : i32
    %mul3A_0 = arith.muli %arg1, %mul3A : i32
    %add3A = arith.addi %mul3A_0, %arg0 : i32
    %c0_i32 = arith.constant 0 : i32
    %c0_i32_1 = arith.constant 0 : i32
    return %add3A, %c0_i32 : i32, i32
  }
  func.func @transform_1(%arg0: i32, %arg1: i32) -> (i32, i32) {
    %add3A = arith.constant 3 : i32
    %add3A_0 = arith.addi %add3A, %arg0 : i32
    %c0_i32 = arith.constant 0 : i32
    %c0_i32_1 = arith.constant 0 : i32
    return %add3A_0, %c0_i32 : i32, i32
  }
  func.func @transform_2(%arg0: i32, %arg1: i32) -> (i32, i32) {
    %c0_i32 = arith.constant 0 : i32
    %c0_i32_0 = arith.constant 0 : i32
    %c0_i32_1 = arith.constant 0 : i32
    return %c0_i32, %c0_i32_0 : i32, i32
  }
  func.func @transform_3(%arg0: i32, %arg1: i32) -> (i32, i32) {
    %c0_i32 = arith.constant 0 : i32
    %c0_i32_0 = arith.constant 0 : i32
    %c0_i32_1 = arith.constant 0 : i32
    return %c0_i32, %c0_i32_0 : i32, i32
  }
  func.func @transform_4(%arg0: i32, %arg1: i32) -> (i32, i32) {
    %mul3A = arith.constant 4 : i32
    %mul3A_0 = arith.muli %arg1, %mul3A : i32
    %add3A = arith.constant 3 : i32
    %add3A_1 = arith.addi %mul3A_0, %add3A : i32
    %add3A_2 = arith.addi %add3A_1, %arg0 : i32
    %c0_i32 = arith.constant 0 : i32
    %c0_i32_3 = arith.constant 0 : i32
    return %add3A_2, %c0_i32 : i32, i32
  }
  func.func @transform_6(%arg0: i32, %arg1: i32) -> (i32, i32) {
    %mul3A = arith.constant 4 : i32
    %mul3A_0 = arith.muli %arg1, %mul3A : i32
    %add3A = arith.constant 3 : i32
    %add3A_1 = arith.addi %mul3A_0, %add3A : i32
    %add3A_2 = arith.addi %add3A_1, %arg0 : i32
    %c0_i32 = arith.constant 0 : i32
    %c0_i32_3 = arith.constant 0 : i32
    return %add3A_2, %c0_i32 : i32, i32
  }
}

</mosaic_0001>

<sc_bundles>
// kernel: kernel.10.cloned.1.call-start
scs
__scs_entry_jumppad:
0x0: {  	(pc) =	sbr.rel $0x88, $3  }
0x1: {  	(tag) =	ssettag $0x0;
	lr =	simm.s32 $0x1  }
0x2: {  	[smem:$0x3F9B] =	sst lr;
	_ =	strace $0xD0000000  }
0x3: {  	_ = 	snop  }
0x4: {  	_ = 	snop  }
0x5: {  	_ = 	snop  }
0x6: {  	_ = 	snop  }
0x7: {  	_ = 	snop  }
__scs_overlays_trampoline_lowered:
0x8: {  	[smem:$0x3FAA] =	sst s0  }
0x9: {  	[smem:$0x3FAB] =	sst s1  }
0xa: {  	[smem:$0x3FAC] =	sst s2  }
0xb: {  	[smem:$0x3FAD] =	sst s3  }
0xc: {  	[smem:$0x3FAE] =	sst s4  }
0xd: {  	[smem:$0x3FAF] =	sst s5  }
0xe: {  	[smem:$0x3FB0] =	sst s6  }
0xf: {  	[smem:$0x3FB1] =	sst s7  }
0x10: {  	[smem:$0x3FB2] =	sst s8  }
0x11: {  	[smem:$0x3FB3] =	sst s9;
	s0 =	simm.s32 @!p0 $0x0  }
0x12: {  	s1 =	sld [smem:$0x3F99];
	s0 =	simm.s32 @p0 $0x1  }
0x13: {  	[smem:$0x3FB4] =	sst s0;
	s0 =	simm.s32 @!p1 $0x0  }
0x14: {  	s2 =	sld [smem:$0x3F98];
	s0 =	simm.s32 @p1 $0x1  }
0x15: {  	[smem:$0x3FB5] =	sst s0;
	s0 =	simm.s32 @!p2 $0x0  }
0x16: {  	s3 =	sld [smem:$0x3FDB];
	s0 =	simm.s32 @p2 $0x1  }
0x17: {  	s4 =	simm.s32 $0x1BF5;
	[smem:$0x3FB7] =	sst s0  }
0x18: {  	s0 =	sld [smem:$0x3F9A];
	_ =	swait.ge [sflag:s4], $0x0  }
0x19: {  	s7 =	sld [smem:$0x3F9B]  }
0x1a: {  	s8 =	sadd.s32 $0xFFFFE003, lr  }
0x1b: {  	s9 =	sadd.s32 $0xFFFFFEF7, lr;
	s5 =	simm.s32 $0xFFFFFFFF;
	p2 =	slt.u32 s8, $0xFFFFF086  }
0x1c: {  	p1 =	slt.u32 s9, $0xF7A;
	s5 =	simm.s32 @!p2 $0x0  }
0x1d: {  	s5 =	simm.s32 @p1 $0x1;
	p0 =	seq.s32 s7, s2  }
0x1e: {  	s7 =	smul.u32 @!p0 $0xF7A, s2;
	p2 =	seq.s32 @!p0 s5, $0x0  }
0x1f: {  	s9 =	smul.u32 $0xF7A, s1;
	s8 =	simm.s32 @!p0 $0x1BF5;
	p2 =	por !p2, p0  }
0x20: {  	[sflag:s8] =	ssyncset.s32 @!p0 $0xFFFFF086;
	s6 =	sadd.s32 @!p0 s3, s7;
	s7 =	simm.s32 @!p0 $0x108  }
0x21: {  	s3 =	sadd.s32 s3, s9;
	s6 =	sadd.s32 @!p0 $0x88, s6;
	s7 =	simm.s32 @p2 $0x1082  }
0x22: {  	[simem:s7], [sflag:s8] =	dma.local @!p0 [hbm:s6], $0xF7A  }
0x23: {  	s9 =	sor.u32 $0xD0000000, s2;
	s6 =	simm.s32 $0x108;
	_ =	swait.ge @!p0 [sflag:s8], $0x0  }
0x24: {  	s3 =	sadd.s32 $0x88, s3;
	s6 =	simm.s32 @!p1 $0x1082;
	[sflag:s4] =	ssyncset.s32 $0xFFFFF086  }
0x25: {  	[simem:s6], [sflag:s4] =	dma.local [hbm:s3], $0xF7A  }
0x26: {  	[smem:$0x3F9B] =	sst s1;
	(tag) =	ssettag s2;
	_ =	strace s9  }
0x27: {  	s1 =	sld [smem:$0x3FAB]  }
0x28: {  	s2 =	sld [smem:$0x3FAC]  }
0x29: {  	s4 =	sld [smem:$0x3FAE]  }
0x2a: {  	p0 =	seq.s32 s5, $0x0;
	s5 =	sld [smem:$0x3FAF]  }
0x2b: {  	s6 =	sld [smem:$0x3FB0]  }
0x2c: {  	s7 =	sld [smem:$0x3FB1]  }
0x2d: {  	s3 =	simm.s32 $0x108;
	s8 =	sld [smem:$0x3FB2]  }
0x2e: {  	s3 =	simm.s32 @!p0 $0x1082;
	s9 =	sld [smem:$0x3FB3]  }
0x2f: {  	lr =	sadd.s32 s0, s3;
	s0 =	sld [smem:$0x3FAA]  }
0x30: {  	s3 =	sld [smem:$0x3FAD]  }
0x31: {  	[smem:$0x3FB6] =	sst s10  }
0x32: {  	s10 =	sld [smem:$0x3FB4];
	_ =	sdelay $0x3  }
0x33: {  	p0 =	seq.s32 s10, $0x1;
	s10 =	sld [smem:$0x3FB6];
	_ =	sdelay $0x3  }
0x34: {  	[smem:$0x3FB6] =	sst s10  }
0x35: {  	s10 =	sld [smem:$0x3FB5];
	_ =	sdelay $0x3  }
0x36: {  	p1 =	seq.s32 s10, $0x1;
	s10 =	sld [smem:$0x3FB6];
	_ =	sdelay $0x3  }
0x37: {  	[smem:$0x3FB6] =	sst s10  }
0x38: {  	s10 =	sld [smem:$0x3FB7]  }
0x39: {  	_ = 	snop;
	(pc) =	sbr.ind lr, $3  }
0x3a: {  	_ = 	snop  }
0x3b: {  	_ = 	snop  }
0x3c: {  	p2 =	seq.s32 s10, $0x1;
	s10 =	sld [smem:$0x3FB6]  }
0x3d: {  	_ =	shalt  }
0x3e: {  	_ =	shalt  }
0x3f: {  	_ =	shalt  }
0x40: {  	_ =	shalt  }
0x41: {  	_ =	shalt  }
0x42: {  	_ =	shalt  }
0x43: {  	_ =	shalt  }
0x44: {  	_ =	shalt  }
0x45: {  	_ =	shalt  }
0x46: {  	_ =	shalt  }
0x47: {  	_ =	shalt  }
0x48: {  	_ =	shalt  }
0x49: {  	_ =	shalt  }
0x4a: {  	_ =	shalt  }
0x4b: {  	_ =	shalt  }
0x4c: {  	_ =	shalt  }
0x4d: {  	_ =	shalt  }
0x4e: {  	_ =	shalt  }
0x4f: {  	_ =	shalt  }
0x50: {  	_ =	shalt  }
0x51: {  	_ =	shalt  }
0x52: {  	_ =	shalt  }
0x53: {  	_ =	shalt  }
0x54: {  	_ =	shalt  }
0x55: {  	_ =	shalt  }
0x56: {  	_ =	shalt  }
0x57: {  	_ =	shalt  }
0x58: {  	_ =	shalt  }
0x59: {  	_ =	shalt  }
0x5a: {  	_ =	shalt  }
0x5b: {  	_ =	shalt  }
0x5c: {  	_ =	shalt  }
0x5d: {  	_ =	shalt  }
0x5e: {  	_ =	shalt  }
0x5f: {  	_ =	shalt  }
0x60: {  	_ =	shalt  }
0x61: {  	_ =	shalt  }
0x62: {  	_ =	shalt  }
0x63: {  	_ =	shalt  }
0x64: {  	_ =	shalt  }
0x65: {  	_ =	shalt  }
0x66: {  	_ =	shalt  }
0x67: {  	_ =	shalt  }
0x68: {  	_ =	shalt  }
0x69: {  	_ =	shalt  }
0x6a: {  	_ =	shalt  }
0x6b: {  	_ =	shalt  }
0x6c: {  	_ =	shalt  }
0x6d: {  	_ =	shalt  }
0x6e: {  	_ =	shalt  }
0x6f: {  	_ =	shalt  }
0x70: {  	_ =	shalt  }
0x71: {  	_ =	shalt  }
0x72: {  	_ =	shalt  }
0x73: {  	_ =	shalt  }
0x74: {  	_ =	shalt  }
0x75: {  	_ =	shalt  }
0x76: {  	_ =	shalt  }
0x77: {  	_ =	shalt  }
0x78: {  	_ =	shalt  }
0x79: {  	_ =	shalt  }
0x7a: {  	_ =	shalt  }
0x7b: {  	_ =	shalt  }
0x7c: {  	_ =	shalt  }
0x7d: {  	_ =	shalt  }
0x7e: {  	_ =	shalt  }
0x7f: {  	_ =	shalt  }
0x80: {  	_ =	shalt  }
0x81: {  	_ =	shalt  }
0x82: {  	_ =	shalt  }
0x83: {  	_ =	shalt  }
0x84: {  	_ =	shalt  }
0x85: {  	_ =	shalt  }
0x86: {  	_ =	shalt  }
0x87: {  	_ =	shalt  }
.Lfunc_end0:
.L_simem_size_0:
called_computation_lowered:
.L_overlay_start_0:
0x88: {  	s2 =	sld [smem:$0x3FD9]  }
0x89: {  	s3 =	sld [smem:$0x3FFE];
	_ =	sdelay $0x1  }
0x8a: {  	s1 =	srdreg.scid  }
0x8b: {  	s0 =	sand.u32 $0x1, s1  }
0x8c: {  	s17 =	sshll.u32 s0, $0xA;
	s2 =	sadd.s32 s3, s2  }
0x8d: {  	s2 =	sadd.s32 s2, s17  }
0x8e: {  	[smem:$0x3FC2] =	sst s2  }
0x8f: {  	_ = 	snop  }
0x90: {  	s2 =	sld [smem:$0x3FC7]  }
0x91: {  	s18 =	sld [smem:$0x3FD0];
	(tm) =	ssettm $0x1  }
0x92: {  	s4 =	sld [smem:$0x3FFB];
	_ =	sdelay $0x3  }
0x93: {  	_ =	strace s4  }
0x94: {  	s4 =	sld [smem:$0x3FFC];
	_ =	sdelay $0x3  }
0x95: {  	_ =	strace s4  }
0x96: {  	s4 =	sld [smem:$0x3FFD];
	_ =	sdelay $0x3  }
0x97: {  	_ =	strace s4  }
0x98: {  	_ =	strace $0x8FFFFFFF  }
0x99: {  	s19 =	sld [smem:$0x3FDB];
	_ =	sdelay $0x1  }
0x9a: {  	s5 =	simm.s32 $_scs_section_size  }
0x9b: {  	s6 =	simm.s32 $_size__tile_overlayer_lowered;
	s7 =	simm.s32 $_tile_overlayer_lowered  }
0x9c: {  	s22 =	simm.s32 $0x1BFF;
	s21 =	sshll.u32 s7, $0x1;
	s4 =	sadd.s32 s5, s19  }
0x9d: {  	s8 =	simm.s32 $0x0;
	s20 =	sshll.u32 s6, $0x1;
	s6 =	sadd.s32 s21, s4  }
0x9e: {  	[timem:s8], [sflag:s22] =	dma.local [hbm:s6], s20  }
0x9f: {  	_ =	swait.ge [sflag:s22], s20  }
0xa0: {  	s5 =	ssub.s32 $0x0, s20;
	[sflag:s22] =	ssyncset.done $0x0  }
0xa1: {  	[sflag:s22] =	ssyncadd.s32 s5;
	_ =	sdelay $0x1  }
0xa2: {  	s23 =	simm.s32 $0x1B8B  }
0xa3: {  	_ =	swait.ge [sflag:s23], $0x1  }
0xa4: {  	[sflag:s23] =	ssyncset.done $0x0  }
0xa5: {  	s25 =	simm.s32 $0x1B8E;
	s24 =	sld [smem:$0x3FFE];
	[sflag:s23] =	ssyncadd.s32 $0xFFFFFFFF  }
0xa6: {  	s26 =	simm.s32 $execute0_lowered;
	[smem:$0x3FD2] =	sst s25  }
0xa7: {  	s6 =	sshll.u32 s26, $0x1;
	_ =	strace $0x80000046;
	[dreg:$0x1] =	wrdreg $0xFFFFFFFF  }
0xa8: {  	s28 =	simm.s32 $_size_execute0_lowered;
	s4 =	sadd.s32 s4, s6;
	[dreg:$0x0] =	wrdreg $0x0  }
0xa9: {  	s6 =	sshll.u32 s28, $0x1;
	[dreg:$0x2] =	wrdreg s4  }
0xaa: {  	[dreg:$0x3] =	wrdreg s6  }
0xab: {  	[dreg:$0x4] =	wrdreg $0xC0  }
0xac: {  	_ =	task [dreg:s8], $0x5FFFF  }
0xad: {  	[dreg:$0x1] =	wrdreg $0xFFFFFFFF  }
0xae: {  	[dreg:$0x0] =	wrdreg $0x60  }
0xaf: {  	[dreg:$0x2] =	wrdreg s24  }
0xb0: {  	[dreg:$0x3] =	wrdreg s2  }
0xb1: {  	[dreg:$0x4] =	wrdreg s18  }
0xb2: {  	[dreg:$0x5] =	wrdreg $0x9  }
0xb3: {  	_ =	task.clear_ibuf [dreg:s8], $0x6FFFF;
	_ =	strace $0x90000046  }
0xb4: {  	s29 =	simm.s32 $0x9;
	_ =	strace $0x80000048  }
0xb5: {  	_ =	swait.ge [sflag:s29], $0x1  }
0xb6: {  	[sflag:s29] =	ssyncadd.s32 $0xFFFFFFFF  }
0xb7: {  	_ =	strace $0x90000048  }
0xb8: {  	_ =	sfence  }
0xb9: {  	s30 =	sld [smem:$0x0];
	_ =	sdelay $0x2  }
0xba: {  	s31 =	sshll.u32 s1, $0xD;
	s1 =	sshrl.u32 s1, $0x2  }
0xbb: {  	s3 =	sand.u32 $0x4000, s31;
	s1 =	sadd.s32 s1, s30  }
0xbc: {  	s0 =	sor.u32 s3, s0;
	s1 =	sshll.u32 s1, $0x11  }
0xbd: {  	s0 =	sor.u32 s1, s0  }
0xbe: {  	s0 =	sadd.s32 $0x8F2B, s0  }
0xbf: {  	[sflag:s0] =	ssyncadd.remote.s32 $0x1  }
0xc0: {  	_ =	sfence.sel $0xFFFF  }
0xc1: {  	[dreg:$0x0] =	wrdreg $0xFFFFFFFF;
	(pc) =	sbr.abs _section_cstart, $3  }
0xc2: {  	[dreg:$0x1] =	wrdreg $0xFFFFFFFF  }
0xc3: {  	_ =	task.clear_ibuf [dreg:s8], $0x2FFFF;
	_ =	strace $0x9FFFFFFF  }
0xc4: {  	(tm) =	ssettm $0x7FFFFFFF  }
0xc5: {  	_ =	shalt  }
tec
execute0_lowered:
.L_overlay_start_1:
0x0: {  	(tag) =	ssettag $0x1  }
0x1: {  	s0 =	rddreg [dreg:$0x0]  }
0x2: {  	s2 =	rddreg [dreg:$0x1];
	s3 =	srdreg.scid  }
0x3: {  	s4 =	rddreg [dreg:$0x2];
	s5 =	sand.u32 $0x1, s3;
	s3 =	simm.s32 $0x0  }
0x4: {  	s13 =	simm.s32 $0x900;
	[smem:$0x7FF] =	sst s3  }
0x5: {  	s14 =	simm.s32 $0x1100;
	_ =	strace $0x80000047;
	[dreg:$0x8] =	wrdreg s13  }
0x6: {  	s1 =	stileid.u32;
	s15 =	simm.s32 $0x1900;
	[dreg:$0x9] =	wrdreg s14  }
0x7: {  	s16 =	simm.s32 $0x2100;
	s18 =	simm.s32 $0x2900;
	[dreg:$0xa] =	wrdreg s15  }
0x8: {  	s19 =	simm.s32 $0x3100;
	s21 =	simm.s32 $0x3900;
	[dreg:$0xb] =	wrdreg s16  }
0x9: {  	s22 =	simm.s32 $0x4100;
	s23 =	simm.s32 $0x4900;
	[dreg:$0xc] =	wrdreg s18  }
0xa: {  	s24 =	simm.s32 $0x5100;
	s25 =	simm.s32 $0x5900;
	[dreg:$0xd] =	wrdreg s19  }
0xb: {  	s26 =	simm.s32 $0x6100;
	s28 =	simm.s32 $0xE900;
	[dreg:$0xe] =	wrdreg s21  }
0xc: {  	s29 =	simm.s32 $0xF100;
	s30 =	simm.s32 $0xF900;
	[dreg:$0xf] =	wrdreg s22  }
0xd: {  	s31 =	simm.s32 $0x1;
	s6 =	sshll.u32 s1, $0x7;
	[dreg:$0x10] =	wrdreg s23  }
0xe: {  	s0 =	sadd.s32 $0x2800, s0;
	s7 =	sshll.u32 s5, $0x6;
	[dreg:$0x11] =	wrdreg s24  }
0xf: {  	s17 =	ssub.s32 $0x2, s5;
	s6 =	sor.u32 s7, s6;
	[dreg:$0x12] =	wrdreg s25  }
0x10: {  	s5 =	sshrl.u32 s17, $0x1;
	[dreg:$0x13] =	wrdreg s26;
	s13 =	simm.s32 $0x80  }
0x11: {  	s14 =	simm.s32 $0x8100;
	s15 =	simm.s32 $0x8900;
	s16 =	simm.s32 $0x9100  }
0x12: {  	s18 =	simm.s32 $0xA100;
	s19 =	simm.s32 $0xA900;
	s21 =	simm.s32 $0xB900  }
0x13: {  	s22 =	simm.s32 $0xC100;
	s23 =	simm.s32 $0xC900;
	s24 =	simm.s32 $0xD100  }
0x14: {  	s25 =	simm.s32 $0xD900;
	s26 =	simm.s32 $0xE100;
	s7 =	sshrl.u32 s6, $0x3  }
0x15: {  	s8 =	sor.u32 $0x20, s6;
	s6 =	sshll.u32 s6, $0x7;
	s20 =	ssub.s32 s17, s5  }
0x16: {  	s5 =	sadd.s32 $0x200, s2;
	s17 =	simm.s32 $0x9900;
	s7 =	sadd.s32 s0, s7  }
0x17: {  	s9 =	sshrl.u32 s8, $0x3;
	s10 =	sadd.s32 s4, s6;
	s11 =	sshll.u32 s8, $0x7  }
0x18: {  	s6 =	sadd.s32 $0x300, s2;
	s8 =	simm.s32 $0x3;
	[dreg:$0x4] =	wrdreg s7  }
0x19: {  	s0 =	sadd.s32 s0, s9;
	[dreg:$0x6] =	wrdreg s10;
	s12 =	sadd.s32 s4, s11  }
0x1a: {  	v2 =	vlaneseq.u32;
	s4 =	sadd.s32 $0x100, s2;
	s7 =	smax.u32 s20, $0x1;
	s9 =	simm.s32 $0x100  }
0x1b: {  	vm0 =	vmmov $0xffff;
	v1 =	vshrl.u32 v2, $0x3;
	s11 =	simm.s32 $0x7100;
	s20 =	simm.s32 $0xB100;
	[dreg:$0x5] =	wrdreg s0  }
0x1c: {  	v0 =	vand.u32 $0x7, v2;
	v2 =	vor.u32 $0x8, v2;
	v1 =	vmul.u32 $0x8, v1;
	[dreg:$0x7] =	wrdreg s12;
	s12 =	simm.s32 $0x7900;
	s0 =	simm.s32 $0x2  }
.LBB2_1:
0x1d: {  	s1 =	rddreg [dreg:$0x4]  }
0x1e: {  	[tilespmem:s3], [sflag:$0x3] =	stream.linear.gather [hbm4b:s1+s3], $0x20, $0x38;
	[tilespmem:$0x10100] =	vst v63  }
0x1f: {  	_ =	swait.ge [sflag:s8], $0x20  }
0x20: {  	[sflag:s8] =	ssyncset.done $0x0  }
0x21: {  	[sflag:s8] =	ssyncadd.s32 $0xFFFFFFE0  }
0x22: {  	v3 =	vld [tilespmem:$0x0];
	_ =	sdelay $0x4  }
0x23: {  	v4 =	vshll.u32 v3, $0x3  }
0x24: {  	v3 =	vand.u32 $0x7, v3;
	v4 =	vand.u32 $0xFFFFFFC0, v4  }
0x25: {  	v3 =	vor.u32 v3, v4  }
0x26: {  	v4 =	vperm.xlane v3, v0;
	_ =	sdelay $0x1  }
0x27: {  	v4 =	vadd.s32 v1, v4;
	_ =	sdelay $0x4  }
0x28: {  	[tilespmem:s9], [sflag:$0x1] =	stream.indirect_vreg.gather [hbm4b:s2+s3], $0x80, v4, vm0, $0xb8;
	[tilespmem:$0x10100] =	vst v63  }
0x29: {  	s1 =	rddreg [dreg:$0x8];
	v3 =	vperm.xlane v3, v2  }
0x2a: {  	[tilespmem:s1], [sflag:$0x1] =	stream.indirect_vreg.gather [hbm4b:s4+s3], $0x80, v4, vm0, $0xb8;
	[tilespmem:$0x10100] =	vst v63  }
0x2b: {  	s10 =	rddreg [dreg:$0x9];
	v3 =	vadd.s32 v1, v3  }
0x2c: {  	[tilespmem:s10], [sflag:$0x1] =	stream.indirect_vreg.gather [hbm4b:s5+s3], $0x80, v4, vm0, $0xb8;
	[tilespmem:$0x10100] =	vst v63  }
0x2d: {  	s1 =	rddreg [dreg:$0xa]  }
0x2e: {  	[tilespmem:s1], [sflag:$0x1] =	stream.indirect_vreg.gather [hbm4b:s6+s3], $0x80, v4, vm0, $0xb8;
	[tilespmem:$0x10100] =	vst v63  }
0x2f: {  	s10 =	rddreg [dreg:$0xb]  }
0x30: {  	[tilespmem:s10], [sflag:$0x1] =	stream.indirect_vreg.gather [hbm4b:s2+s3], $0x80, v3, vm0, $0xb8;
	[tilespmem:$0x10100] =	vst v63  }
0x31: {  	s1 =	rddreg [dreg:$0xc]  }
0x32: {  	[tilespmem:s1], [sflag:$0x1] =	stream.indirect_vreg.gather [hbm4b:s4+s3], $0x80, v3, vm0, $0xb8;
	[tilespmem:$0x10100] =	vst v63  }
0x33: {  	s10 =	rddreg [dreg:$0xd]  }
0x34: {  	[tilespmem:s10], [sflag:$0x1] =	stream.indirect_vreg.gather [hbm4b:s5+s3], $0x80, v3, vm0, $0xb8;
	[tilespmem:$0x10100] =	vst v63  }
0x35: {  	s1 =	rddreg [dreg:$0xe]  }
0x36: {  	[tilespmem:s1], [sflag:$0x1] =	stream.indirect_vreg.gather [hbm4b:s6+s3], $0x80, v3, vm0, $0xb8;
	[tilespmem:$0x10100] =	vst v63  }
0x37: {  	v3 =	vld [tilespmem:$0x10];
	_ =	sdelay $0x4  }
0x38: {  	v61 =	vshll.u32 v3, $0x3  }
0x39: {  	v3 =	vand.u32 $0x7, v3;
	v4 =	vand.u32 $0xFFFFFFC0, v61  }
0x3a: {  	v3 =	vor.u32 v3, v4  }
0x3b: {  	v4 =	vperm.xlane v3, v0;
	_ =	sdelay $0x1  }
0x3c: {  	v4 =	vadd.s32 v1, v4;
	_ =	sdelay $0x3  }
0x3d: {  	s1 =	rddreg [dreg:$0xf]  }
0x3e: {  	[tilespmem:s1], [sflag:$0x1] =	stream.indirect_vreg.gather [hbm4b:s2+s3], $0x80, v4, vm0, $0xb8;
	[tilespmem:$0x10100] =	vst v63  }
0x3f: {  	s10 =	rddreg [dreg:$0x10];
	v3 =	vperm.xlane v3, v2  }
0x40: {  	[tilespmem:s10], [sflag:$0x1] =	stream.indirect_vreg.gather [hbm4b:s4+s3], $0x80, v4, vm0, $0xb8;
	[tilespmem:$0x10100] =	vst v63  }
0x41: {  	v3 =	vadd.s32 v1, v3;
	s1 =	rddreg [dreg:$0x11]  }
0x42: {  	[tilespmem:s1], [sflag:$0x1] =	stream.indirect_vreg.gather [hbm4b:s5+s3], $0x80, v4, vm0, $0xb8;
	[tilespmem:$0x10100] =	vst v63  }
0x43: {  	s10 =	rddreg [dreg:$0x12]  }
0x44: {  	[tilespmem:s10], [sflag:$0x1] =	stream.indirect_vreg.gather [hbm4b:s6+s3], $0x80, v4, vm0, $0xb8;
	[tilespmem:$0x10100] =	vst v63  }
0x45: {  	s1 =	rddreg [dreg:$0x13]  }
0x46: {  	[tilespmem:s1], [sflag:$0x1] =	stream.indirect_vreg.gather [hbm4b:s2+s3], $0x80, v3, vm0, $0xb8;
	[tilespmem:$0x10100] =	vst v63  }
0x47: {  	s10 =	simm.s32 $0x6900  }
0x48: {  	[tilespmem:s10], [sflag:$0x1] =	stream.indirect_vreg.gather [hbm4b:s4+s3], $0x80, v3, vm0, $0xb8;
	[tilespmem:$0x10100] =	vst v63  }
0x49: {  	_ = 	snop  }
0x4a: {  	[tilespmem:s11], [sflag:$0x1] =	stream.indirect_vreg.gather [hbm4b:s5+s3], $0x80, v3, vm0, $0xb8;
	[tilespmem:$0x10100] =	vst v63  }
0x4b: {  	_ = 	snop  }
0x4c: {  	[tilespmem:s12], [sflag:$0x1] =	stream.indirect_vreg.gather [hbm4b:s6+s3], $0x80, v3, vm0, $0xb8;
	[tilespmem:$0x10100] =	vst v63  }
0x4d: {  	s10 =	rddreg [dreg:$0x5]  }
0x4e: {  	[tilespmem:s13], [sflag:$0x3] =	stream.linear.gather [hbm4b:s10+s3], $0x20, $0x38;
	[tilespmem:$0x10100] =	vst v63  }
0x4f: {  	_ =	swait.ge [sflag:s8], $0x20  }
0x50: {  	[sflag:s8] =	ssyncset.done $0x0  }
0x51: {  	[sflag:s8] =	ssyncadd.s32 $0xFFFFFFE0  }
0x52: {  	v3 =	vld [tilespmem:$0x80];
	_ =	sdelay $0x4  }
0x53: {  	v62 =	vshll.u32 v3, $0x3  }
0x54: {  	v3 =	vand.u32 $0x7, v3;
	v4 =	vand.u32 $0xFFFFFFC0, v62  }
0x55: {  	v3 =	vor.u32 v3, v4  }
0x56: {  	v4 =	vperm.xlane v3, v0;
	_ =	sdelay $0x1  }
0x57: {  	v4 =	vadd.s32 v1, v4;
	_ =	sdelay $0x4  }
0x58: {  	[tilespmem:s14], [sflag:$0x2] =	stream.indirect_vreg.gather [hbm4b:s2+s3], $0x80, v4, vm0, $0xb8;
	[tilespmem:$0x10100] =	vst v63  }
0x59: {  	v3 =	vperm.xlane v3, v2  }
0x5a: {  	[tilespmem:s15], [sflag:$0x2] =	stream.indirect_vreg.gather [hbm4b:s4+s3], $0x80, v4, vm0, $0xb8;
	[tilespmem:$0x10100] =	vst v63  }
0x5b: {  	v3 =	vadd.s32 v1, v3  }
0x5c: {  	[tilespmem:s16], [sflag:$0x2] =	stream.indirect_vreg.gather [hbm4b:s5+s3], $0x80, v4, vm0, $0xb8;
	[tilespmem:$0x10100] =	vst v63  }
0x5d: {  	_ = 	snop  }
0x5e: {  	[tilespmem:s17], [sflag:$0x2] =	stream.indirect_vreg.gather [hbm4b:s6+s3], $0x80, v4, vm0, $0xb8;
	[tilespmem:$0x10100] =	vst v63  }
0x5f: {  	_ = 	snop  }
0x60: {  	[tilespmem:s18], [sflag:$0x2] =	stream.indirect_vreg.gather [hbm4b:s2+s3], $0x80, v3, vm0, $0xb8;
	[tilespmem:$0x10100] =	vst v63  }
0x61: {  	_ = 	snop  }
0x62: {  	[tilespmem:s19], [sflag:$0x2] =	stream.indirect_vreg.gather [hbm4b:s4+s3], $0x80, v3, vm0, $0xb8;
	[tilespmem:$0x10100] =	vst v63  }
0x63: {  	_ = 	snop  }
0x64: {  	[tilespmem:s20], [sflag:$0x2] =	stream.indirect_vreg.gather [hbm4b:s5+s3], $0x80, v3, vm0, $0xb8;
	[tilespmem:$0x10100] =	vst v63  }
0x65: {  	_ = 	snop  }
0x66: {  	[tilespmem:s21], [sflag:$0x2] =	stream.indirect_vreg.gather [hbm4b:s6+s3], $0x80, v3, vm0, $0xb8;
	[tilespmem:$0x10100] =	vst v63  }
0x67: {  	v3 =	vld [tilespmem:$0x90];
	_ =	sdelay $0x4  }
0x68: {  	v63 =	vshll.u32 v3, $0x3  }
0x69: {  	v3 =	vand.u32 $0x7, v3;
	v4 =	vand.u32 $0xFFFFFFC0, v63  }
0x6a: {  	v3 =	vor.u32 v3, v4  }
0x6b: {  	v4 =	vperm.xlane v3, v0;
	_ =	sdelay $0x1  }
0x6c: {  	v4 =	vadd.s32 v1, v4;
	_ =	sdelay $0x4  }
0x6d: {  	[tilespmem:s22], [sflag:$0x2] =	stream.indirect_vreg.gather [hbm4b:s2+s3], $0x80, v4, vm0, $0xb8;
	[tilespmem:$0x10100] =	vst v63  }
0x6e: {  	v3 =	vperm.xlane v3, v2  }
0x6f: {  	[tilespmem:s23], [sflag:$0x2] =	stream.indirect_vreg.gather [hbm4b:s4+s3], $0x80, v4, vm0, $0xb8;
	[tilespmem:$0x10100] =	vst v63  }
0x70: {  	v3 =	vadd.s32 v1, v3  }
0x71: {  	[tilespmem:s24], [sflag:$0x2] =	stream.indirect_vreg.gather [hbm4b:s5+s3], $0x80, v4, vm0, $0xb8;
	[tilespmem:$0x10100] =	vst v63  }
0x72: {  	_ = 	snop  }
0x73: {  	[tilespmem:s25], [sflag:$0x2] =	stream.indirect_vreg.gather [hbm4b:s6+s3], $0x80, v4, vm0, $0xb8;
	[tilespmem:$0x10100] =	vst v63  }
0x74: {  	_ = 	snop  }
0x75: {  	[tilespmem:s26], [sflag:$0x2] =	stream.indirect_vreg.gather [hbm4b:s2+s3], $0x80, v3, vm0, $0xb8;
	[tilespmem:$0x10100] =	vst v63  }
0x76: {  	_ = 	snop  }
0x77: {  	[tilespmem:s28], [sflag:$0x2] =	stream.indirect_vreg.gather [hbm4b:s4+s3], $0x80, v3, vm0, $0xb8;
	[tilespmem:$0x10100] =	vst v63  }
0x78: {  	_ = 	snop  }
0x79: {  	[tilespmem:s29], [sflag:$0x2] =	stream.indirect_vreg.gather [hbm4b:s5+s3], $0x80, v3, vm0, $0xb8;
	[tilespmem:$0x10100] =	vst v63  }
0x7a: {  	_ = 	snop  }
0x7b: {  	[tilespmem:s30], [sflag:$0x2] =	stream.indirect_vreg.gather [hbm4b:s6+s3], $0x80, v3, vm0, $0xb8;
	[tilespmem:$0x10100] =	vst v63  }
0x7c: {  	_ =	swait.ge [sflag:s31], $0x8000  }
0x7d: {  	[sflag:s31] =	ssyncset.done $0x0  }
0x7e: {  	s10 =	rddreg [dreg:$0x6];
	[sflag:s31] =	ssyncadd.s32 $0xFFFF8000  }
0x7f: {  	[hbm4b:s10+s3] =	stream.linear.scatter [tilespmem:s9], [sflag:$0x1], $0x8000, $0x38;
	[tilespmem:$0x10100] =	vst v63  }
0x80: {  	_ =	swait.ge [sflag:s0], $0x8000  }
0x81: {  	[sflag:s0] =	ssyncset.done $0x0  }
0x82: {  	s10 =	rddreg [dreg:$0x7];
	[sflag:s0] =	ssyncadd.s32 $0xFFFF8000  }
0x83: {  	[hbm4b:s10+s3] =	stream.linear.scatter [tilespmem:s14], [sflag:$0x2], $0x8000, $0x38;
	[tilespmem:$0x10100] =	vst v63  }
0x84: {  	p0 =	sne.s32 s7, $0x1;
	_ =	swait.ge [sflag:s31], $0x8000  }
.Ltmp0:
0x85: {  	[sflag:s31] =	ssyncset.done $0x0;
	(pc) =	sbr.rel @p0 .LBB2_1-.Ltmp0, $4  }
0x86: {  	[sflag:s31] =	ssyncadd.s32 $0xFFFF8000  }
0x87: {  	_ =	swait.ge [sflag:s0], $0x8000  }
0x88: {  	[sflag:s0] =	ssyncset.done $0x0  }
0x89: {  	s7 =	sadd.s32 $0xFFFFFFFF, s7;
	[sflag:s0] =	ssyncadd.s32 $0xFFFF8000  }
0x8a: {  	_ =	sfence.sel $0x180000  }
0x8b: {  	[bflag:$0x0] =	sbarrier.arrive $0xFFFF  }
0x8c: {  	_ =	strace $0x90000047  }
0x8d: {  	s0 =	stileid.u32;
	[bflag:$0x2] =	sbarrier.arrive $0xFFFF  }
0x8e: {  	p0 =	sne.s32 s0, $0x0;
	s0 =	rddreg [dreg:$0x3]  }
0x8f: {  	s0 =	sadd.s32 @!p0 $0x100000, s0  }
0x90: {  	[sflag:s0] =	ssyncadd.tile.s32 @!p0 $0x1;
	_ =	shalt  }
.Lfunc_end2:
_tile_overlayer_lowered:
.L_overlay_start_2:
0x91: {  	(tag) =	ssettag $0x2  }
0x92: {  	s0 =	rddreg [dreg:$0x0];
	s2 =	stileid.u32  }
0x93: {  	s1 =	rddreg [dreg:$0x1];
	p0 =	sne.s32 s2, $0x0  }
0x94: {  	s3 =	rddreg [dreg:$0x2];
	[bflag:$0x3] =	sbarrier.arrive $0xFFFF;
	s2 =	simm.s32 @!p0 $0x1C03  }
0x95: {  	[timem:s3], [sflag:s2] =	dma.local @!p0 [hbm:s0], s1  }
0x96: {  	s0 =	simm.s32 @!p0 $0x3  }
0x97: {  	_ =	swait.ge @!p0 [sflag:s0], s1  }
0x98: {  	s1 =	ssub.s32 @!p0 $0x0, s1;
	[sflag:s0] =	ssyncset.done @!p0 $0x0  }
0x99: {  	[sflag:s0] =	ssyncadd.s32 @!p0 s1  }
0x9a: {  	[bflag:$0x3] =	sbarrier.arrive $0xFFFF  }
0x9b: {  	_ =	shalt  }

// kernel: kernel.13.cloned.1.call-start
scs
__scs_entry_jumppad:
0x0: {  	(pc) =	sbr.rel $0x88, $3  }
0x1: {  	(tag) =	ssettag $0x0;
	lr =	simm.s32 $0x1  }
0x2: {  	[smem:$0x3F9B] =	sst lr;
	_ =	strace $0xD0000000  }
0x3: {  	_ = 	snop  }
0x4: {  	_ = 	snop  }
0x5: {  	_ = 	snop  }
0x6: {  	_ = 	snop  }
0x7: {  	_ = 	snop  }
__scs_overlays_trampoline_lowered:
0x8: {  	[smem:$0x3FAA] =	sst s0  }
0x9: {  	[smem:$0x3FAB] =	sst s1  }
0xa: {  	[smem:$0x3FAC] =	sst s2  }
0xb: {  	[smem:$0x3FAD] =	sst s3  }
0xc: {  	[smem:$0x3FAE] =	sst s4  }
0xd: {  	[smem:$0x3FAF] =	sst s5  }
0xe: {  	[smem:$0x3FB0] =	sst s6  }
0xf: {  	[smem:$0x3FB1] =	sst s7  }
0x10: {  	[smem:$0x3FB2] =	sst s8  }
0x11: {  	[smem:$0x3FB3] =	sst s9;
	s0 =	simm.s32 @!p0 $0x0  }
0x12: {  	s1 =	sld [smem:$0x3F99];
	s0 =	simm.s32 @p0 $0x1  }
0x13: {  	[smem:$0x3FB4] =	sst s0;
	s0 =	simm.s32 @!p1 $0x0  }
0x14: {  	s2 =	sld [smem:$0x3F98];
	s0 =	simm.s32 @p1 $0x1  }
0x15: {  	[smem:$0x3FB5] =	sst s0;
	s0 =	simm.s32 @!p2 $0x0  }
0x16: {  	s3 =	sld [smem:$0x3FDB];
	s0 =	simm.s32 @p2 $0x1  }
0x17: {  	s4 =	simm.s32 $0x1BF5;
	[smem:$0x3FB7] =	sst s0  }
0x18: {  	s0 =	sld [smem:$0x3F9A];
	_ =	swait.ge [sflag:s4], $0x0  }
0x19: {  	s7 =	sld [smem:$0x3F9B]  }
0x1a: {  	s8 =	sadd.s32 $0xFFFFE003, lr  }
0x1b: {  	s9 =	sadd.s32 $0xFFFFFEF7, lr;
	s5 =	simm.s32 $0xFFFFFFFF;
	p2 =	slt.u32 s8, $0xFFFFF086  }
0x1c: {  	p1 =	slt.u32 s9, $0xF7A;
	s5 =	simm.s32 @!p2 $0x0  }
0x1d: {  	s5 =	simm.s32 @p1 $0x1;
	p0 =	seq.s32 s7, s2  }
0x1e: {  	s7 =	smul.u32 @!p0 $0xF7A, s2;
	p2 =	seq.s32 @!p0 s5, $0x0  }
0x1f: {  	s9 =	smul.u32 $0xF7A, s1;
	s8 =	simm.s32 @!p0 $0x1BF5;
	p2 =	por !p2, p0  }
0x20: {  	[sflag:s8] =	ssyncset.s32 @!p0 $0xFFFFF086;
	s6 =	sadd.s32 @!p0 s3, s7;
	s7 =	simm.s32 @!p0 $0x108  }
0x21: {  	s3 =	sadd.s32 s3, s9;
	s6 =	sadd.s32 @!p0 $0x88, s6;
	s7 =	simm.s32 @p2 $0x1082  }
0x22: {  	[simem:s7], [sflag:s8] =	dma.local @!p0 [hbm:s6], $0xF7A  }
0x23: {  	s9 =	sor.u32 $0xD0000000, s2;
	s6 =	simm.s32 $0x108;
	_ =	swait.ge @!p0 [sflag:s8], $0x0  }
0x24: {  	s3 =	sadd.s32 $0x88, s3;
	s6 =	simm.s32 @!p1 $0x1082;
	[sflag:s4] =	ssyncset.s32 $0xFFFFF086  }
0x25: {  	[simem:s6], [sflag:s4] =	dma.local [hbm:s3], $0xF7A  }
0x26: {  	[smem:$0x3F9B] =	sst s1;
	(tag) =	ssettag s2;
	_ =	strace s9  }
0x27: {  	s1 =	sld [smem:$0x3FAB]  }
0x28: {  	s2 =	sld [smem:$0x3FAC]  }
0x29: {  	s4 =	sld [smem:$0x3FAE]  }
0x2a: {  	p0 =	seq.s32 s5, $0x0;
	s5 =	sld [smem:$0x3FAF]  }
0x2b: {  	s6 =	sld [smem:$0x3FB0]  }
0x2c: {  	s7 =	sld [smem:$0x3FB1]  }
0x2d: {  	s3 =	simm.s32 $0x108;
	s8 =	sld [smem:$0x3FB2]  }
0x2e: {  	s3 =	simm.s32 @!p0 $0x1082;
	s9 =	sld [smem:$0x3FB3]  }
0x2f: {  	lr =	sadd.s32 s0, s3;
	s0 =	sld [smem:$0x3FAA]  }
0x30: {  	s3 =	sld [smem:$0x3FAD]  }
0x31: {  	[smem:$0x3FB6] =	sst s10  }
0x32: {  	s10 =	sld [smem:$0x3FB4];
	_ =	sdelay $0x3  }
0x33: {  	p0 =	seq.s32 s10, $0x1;
	s10 =	sld [smem:$0x3FB6];
	_ =	sdelay $0x3  }
0x34: {  	[smem:$0x3FB6] =	sst s10  }
0x35: {  	s10 =	sld [smem:$0x3FB5];
	_ =	sdelay $0x3  }
0x36: {  	p1 =	seq.s32 s10, $0x1;
	s10 =	sld [smem:$0x3FB6];
	_ =	sdelay $0x3  }
0x37: {  	[smem:$0x3FB6] =	sst s10  }
0x38: {  	s10 =	sld [smem:$0x3FB7]  }
0x39: {  	_ = 	snop;
	(pc) =	sbr.ind lr, $3  }
0x3a: {  	_ = 	snop  }
0x3b: {  	_ = 	snop  }
0x3c: {  	p2 =	seq.s32 s10, $0x1;
	s10 =	sld [smem:$0x3FB6]  }
0x3d: {  	_ =	shalt  }
0x3e: {  	_ =	shalt  }
0x3f: {  	_ =	shalt  }
0x40: {  	_ =	shalt  }
0x41: {  	_ =	shalt  }
0x42: {  	_ =	shalt  }
0x43: {  	_ =	shalt  }
0x44: {  	_ =	shalt  }
0x45: {  	_ =	shalt  }
0x46: {  	_ =	shalt  }
0x47: {  	_ =	shalt  }
0x48: {  	_ =	shalt  }
0x49: {  	_ =	shalt  }
0x4a: {  	_ =	shalt  }
0x4b: {  	_ =	shalt  }
0x4c: {  	_ =	shalt  }
0x4d: {  	_ =	shalt  }
0x4e: {  	_ =	shalt  }
0x4f: {  	_ =	shalt  }
0x50: {  	_ =	shalt  }
0x51: {  	_ =	shalt  }
0x52: {  	_ =	shalt  }
0x53: {  	_ =	shalt  }
0x54: {  	_ =	shalt  }
0x55: {  	_ =	shalt  }
0x56: {  	_ =	shalt  }
0x57: {  	_ =	shalt  }
0x58: {  	_ =	shalt  }
0x59: {  	_ =	shalt  }
0x5a: {  	_ =	shalt  }
0x5b: {  	_ =	shalt  }
0x5c: {  	_ =	shalt  }
0x5d: {  	_ =	shalt  }
0x5e: {  	_ =	shalt  }
0x5f: {  	_ =	shalt  }
0x60: {  	_ =	shalt  }
0x61: {  	_ =	shalt  }
0x62: {  	_ =	shalt  }
0x63: {  	_ =	shalt  }
0x64: {  	_ =	shalt  }
0x65: {  	_ =	shalt  }
0x66: {  	_ =	shalt  }
0x67: {  	_ =	shalt  }
0x68: {  	_ =	shalt  }
0x69: {  	_ =	shalt  }
0x6a: {  	_ =	shalt  }
0x6b: {  	_ =	shalt  }
0x6c: {  	_ =	shalt  }
0x6d: {  	_ =	shalt  }
0x6e: {  	_ =	shalt  }
0x6f: {  	_ =	shalt  }
0x70: {  	_ =	shalt  }
0x71: {  	_ =	shalt  }
0x72: {  	_ =	shalt  }
0x73: {  	_ =	shalt  }
0x74: {  	_ =	shalt  }
0x75: {  	_ =	shalt  }
0x76: {  	_ =	shalt  }
0x77: {  	_ =	shalt  }
0x78: {  	_ =	shalt  }
0x79: {  	_ =	shalt  }
0x7a: {  	_ =	shalt  }
0x7b: {  	_ =	shalt  }
0x7c: {  	_ =	shalt  }
0x7d: {  	_ =	shalt  }
0x7e: {  	_ =	shalt  }
0x7f: {  	_ =	shalt  }
0x80: {  	_ =	shalt  }
0x81: {  	_ =	shalt  }
0x82: {  	_ =	shalt  }
0x83: {  	_ =	shalt  }
0x84: {  	_ =	shalt  }
0x85: {  	_ =	shalt  }
0x86: {  	_ =	shalt  }
0x87: {  	_ =	shalt  }
.Lfunc_end0:
.L_simem_size_0:
called_computation.1_lowered:
.L_overlay_start_0:
0x88: {  	s2 =	sld [smem:$0x3FD9]  }
0x89: {  	s3 =	sld [smem:$0x3FFE];
	_ =	sdelay $0x1  }
0x8a: {  	s1 =	srdreg.scid  }
0x8b: {  	s0 =	sand.u32 $0x1, s1  }
0x8c: {  	s17 =	sshll.u32 s0, $0xA;
	s2 =	sadd.s32 s3, s2  }
0x8d: {  	s2 =	sadd.s32 s2, s17  }
0x8e: {  	[smem:$0x3FC2] =	sst s2  }
0x8f: {  	_ = 	snop  }
0x90: {  	s18 =	sld [smem:$0x3FC7];
	(tm) =	ssettm $0x1  }
0x91: {  	s19 =	sld [smem:$0x3FFB];
	_ =	sdelay $0x3  }
0x92: {  	_ =	strace s19  }
0x93: {  	s2 =	sld [smem:$0x3FFC];
	_ =	sdelay $0x3  }
0x94: {  	_ =	strace s2  }
0x95: {  	s2 =	sld [smem:$0x3FFD];
	_ =	sdelay $0x3  }
0x96: {  	_ =	strace s2  }
0x97: {  	_ =	strace $0x8FFFFFFF  }
0x98: {  	s20 =	sld [smem:$0x3FDB];
	_ =	sdelay $0x1  }
0x99: {  	s4 =	simm.s32 $_scs_section_size  }
0x9a: {  	s5 =	simm.s32 $_size__tile_overlayer_lowered;
	s6 =	simm.s32 $_tile_overlayer_lowered  }
0x9b: {  	s7 =	simm.s32 $0x1BFF;
	s21 =	sshll.u32 s6, $0x1;
	s4 =	sadd.s32 s4, s20  }
0x9c: {  	s22 =	simm.s32 $0x0;
	s5 =	sshll.u32 s5, $0x1;
	s6 =	sadd.s32 s21, s4  }
0x9d: {  	[timem:s22], [sflag:s7] =	dma.local [hbm:s6], s5  }
0x9e: {  	_ =	swait.ge [sflag:s7], s5  }
0x9f: {  	s5 =	ssub.s32 $0x0, s5;
	[sflag:s7] =	ssyncset.done $0x0  }
0xa0: {  	[sflag:s7] =	ssyncadd.s32 s5;
	_ =	sdelay $0x1  }
0xa1: {  	s23 =	simm.s32 $0x1B8B  }
0xa2: {  	_ =	swait.ge [sflag:s23], $0x1  }
0xa3: {  	[sflag:s23] =	ssyncset.done $0x0  }
0xa4: {  	[sflag:s23] =	ssyncadd.s32 $0xFFFFFFFF  }
0xa5: {  	s5 =	sld [smem:$0x0]  }
0xa6: {  	s6 =	sand.u32 $0xFFFFFFFE, s1  }
0xa7: {  	p0 =	sne.s32 s1, s6  }
0xa8: {  	s6 =	sshll.u32 @p0 s6, $0xE  }
0xa9: {  	s6 =	sadd.s32 @p0 $0x11B8D, s6;
	s7 =	sshll.u32 @p0 s5, $0x11  }
0xaa: {  	s6 =	sor.u32 @p0 s7, s6  }
0xab: {  	[sflag:s6] =	ssyncadd.remote.s32 @p0 $0x1;
	_ =	sdelay $0x1  }
0xac: {  	s6 =	simm.s32 @p0 $0x1B8D  }
0xad: {  	_ =	swait.eq @p0 [sflag:s6], $0x1  }
0xae: {  	[sflag:s6] =	ssyncadd.s32 @p0 $0xFFFFFFFF  }
0xaf: {  	s7 =	sshll.u32 @!p0 s1, $0xE  }
0xb0: {  	s7 =	sor.u32 @!p0 $0x4000, s7;
	s6 =	simm.s32 @!p0 $0x1B8D  }
0xb1: {  	s5 =	sshll.u32 @!p0 s5, $0x11;
	s7 =	sadd.s32 @!p0 $0x11B8D, s7;
	_ =	swait.eq @!p0 [sflag:s6], $0x1  }
0xb2: {  	s5 =	sor.u32 @!p0 s5, s7;
	[sflag:s6] =	ssyncadd.s32 @!p0 $0xFFFFFFFF  }
0xb3: {  	s25 =	simm.s32 $0x1B8E;
	s24 =	sld [smem:$0x3FFE];
	[sflag:s5] =	ssyncadd.remote.s32 @!p0 $0x1  }
0xb4: {  	s26 =	simm.s32 $execute0_lowered;
	[smem:$0x3FD2] =	sst s25  }
0xb5: {  	s6 =	sshll.u32 s26, $0x1;
	_ =	strace $0x80000049;
	[dreg:$0x1] =	wrdreg $0xFFFFFFFF  }
0xb6: {  	s28 =	simm.s32 $_size_execute0_lowered;
	s4 =	sadd.s32 s4, s6;
	[dreg:$0x0] =	wrdreg $0x0  }
0xb7: {  	s6 =	sshll.u32 s28, $0x1;
	[dreg:$0x2] =	wrdreg s4  }
0xb8: {  	[dreg:$0x3] =	wrdreg s6  }
0xb9: {  	[dreg:$0x4] =	wrdreg $0xC0  }
0xba: {  	_ =	task [dreg:s22], $0x5FFFF  }
0xbb: {  	[dreg:$0x1] =	wrdreg $0xFFFFFFFF  }
0xbc: {  	[dreg:$0x0] =	wrdreg $0x60  }
0xbd: {  	[dreg:$0x2] =	wrdreg s24  }
0xbe: {  	[dreg:$0x3] =	wrdreg s18  }
0xbf: {  	[dreg:$0x4] =	wrdreg $0xA  }
0xc0: {  	_ =	task.clear_ibuf [dreg:s22], $0x5FFFF;
	_ =	strace $0x90000049  }
0xc1: {  	s29 =	simm.s32 $0xA;
	_ =	strace $0x8000004B  }
0xc2: {  	_ =	swait.ge [sflag:s29], $0x1  }
0xc3: {  	[sflag:s29] =	ssyncadd.s32 $0xFFFFFFFF  }
0xc4: {  	_ =	strace $0x9000004B  }
0xc5: {  	_ =	sfence  }
0xc6: {  	s30 =	sld [smem:$0x0];
	_ =	sdelay $0x2  }
0xc7: {  	s31 =	sshll.u32 s1, $0xD;
	s1 =	sshrl.u32 s1, $0x2  }
0xc8: {  	s4 =	sand.u32 $0x4000, s31;
	s1 =	sadd.s32 s1, s30  }
0xc9: {  	s0 =	sor.u32 s4, s0;
	s1 =	sshll.u32 s1, $0x11  }
0xca: {  	s0 =	sor.u32 s1, s0  }
0xcb: {  	s0 =	sadd.s32 $0x8F2B, s0  }
0xcc: {  	[sflag:s0] =	ssyncadd.remote.s32 $0x1  }
0xcd: {  	_ =	sfence.sel $0xFFFF  }
0xce: {  	[dreg:$0x0] =	wrdreg $0xFFFFFFFF;
	(pc) =	sbr.abs _section_cstart, $3  }
0xcf: {  	[dreg:$0x1] =	wrdreg $0xFFFFFFFF  }
0xd0: {  	_ =	task.clear_ibuf [dreg:s22], $0x2FFFF;
	_ =	strace $0x9FFFFFFF  }
0xd1: {  	(tm) =	ssettm $0x7FFFFFFF  }
tec
execute0_lowered:
.L_overlay_start_1:
0x0: {  	(tag) =	ssettag $0x1  }
0x1: {  	s0 =	rddreg [dreg:$0x0]  }
0x2: {  	s2 =	rddreg [dreg:$0x1];
	s3 =	simm.s32 $0x0  }
0x3: {  	s13 =	simm.s32 $0x900;
	[smem:$0x7FF] =	sst s3  }
0x4: {  	s14 =	simm.s32 $0x1100;
	_ =	strace $0x8000004A;
	[dreg:$0x7] =	wrdreg s13  }
0x5: {  	s4 =	srdreg.scid;
	s15 =	simm.s32 $0x1900;
	[dreg:$0x8] =	wrdreg s14  }
0x6: {  	s1 =	stileid.u32;
	s16 =	simm.s32 $0x2100;
	[dreg:$0x9] =	wrdreg s15  }
0x7: {  	s17 =	simm.s32 $0x2900;
	s19 =	simm.s32 $0x3100;
	[dreg:$0xa] =	wrdreg s16  }
0x8: {  	s21 =	simm.s32 $0x3900;
	s22 =	simm.s32 $0x4100;
	[dreg:$0xb] =	wrdreg s17  }
0x9: {  	s23 =	simm.s32 $0x4900;
	s24 =	simm.s32 $0x5100;
	[dreg:$0xc] =	wrdreg s19  }
0xa: {  	s25 =	simm.s32 $0x5900;
	s26 =	simm.s32 $0x6100;
	[dreg:$0xd] =	wrdreg s21  }
0xb: {  	s28 =	simm.s32 $0xE900;
	s29 =	simm.s32 $0xF100;
	[dreg:$0xe] =	wrdreg s22  }
0xc: {  	s30 =	simm.s32 $0xF900;
	s31 =	simm.s32 $0x1;
	[dreg:$0xf] =	wrdreg s23  }
0xd: {  	s4 =	sand.u32 $0x1, s4;
	s5 =	sshll.u32 s1, $0x7;
	[dreg:$0x10] =	wrdreg s24  }
0xe: {  	s11 =	sadd.s32 $0x2A00, s0;
	s0 =	sadd.s32 $0x3000, s0;
	[dreg:$0x11] =	wrdreg s25  }
0xf: {  	s6 =	sshll.u32 s4, $0x6;
	s4 =	ssub.s32 $0x2, s4;
	[dreg:$0x12] =	wrdreg s26  }
0x10: {  	s13 =	simm.s32 $0x80;
	s14 =	simm.s32 $0x8100;
	s15 =	simm.s32 $0x8900  }
0x11: {  	s16 =	simm.s32 $0x9100;
	s17 =	simm.s32 $0x9900;
	s19 =	simm.s32 $0xA900  }
0x12: {  	s21 =	simm.s32 $0xB900;
	s22 =	simm.s32 $0xC100;
	s23 =	simm.s32 $0xC900  }
0x13: {  	s24 =	simm.s32 $0xD100;
	s25 =	simm.s32 $0xD900;
	s5 =	sor.u32 s6, s5  }
0x14: {  	s26 =	simm.s32 $0xE100;
	s18 =	sshrl.u32 s4, $0x1;
	s7 =	sshrl.u32 s5, $0x3  }
0x15: {  	s8 =	sor.u32 $0x20, s5;
	s5 =	sshll.u32 s5, $0x7;
	s20 =	ssub.s32 s4, s18  }
0x16: {  	s4 =	sadd.s32 $0x100, s2;
	s18 =	simm.s32 $0xA100;
	s7 =	sadd.s32 s11, s7  }
0x17: {  	s9 =	sshrl.u32 s8, $0x3;
	s5 =	sadd.s32 s0, s5;
	s12 =	sshll.u32 s8, $0x7  }
0x18: {  	s8 =	simm.s32 $0x3;
	[dreg:$0x3] =	wrdreg s7;
	s6 =	sadd.s32 s11, s9  }
0x19: {  	[dreg:$0x5] =	wrdreg s5;
	s0 =	sadd.s32 s0, s12;
	s5 =	sadd.s32 $0x200, s2  }
0x1a: {  	v2 =	vlaneseq.u32;
	s7 =	smax.u32 s20, $0x1;
	s9 =	simm.s32 $0x100;
	s11 =	simm.s32 $0x7100  }
0x1b: {  	vm0 =	vmmov $0xffff;
	v1 =	vshrl.u32 v2, $0x3;
	s12 =	simm.s32 $0x7900;
	s20 =	simm.s32 $0xB100;
	[dreg:$0x4] =	wrdreg s6  }
0x1c: {  	v0 =	vand.u32 $0x7, v2;
	v2 =	vor.u32 $0x8, v2;
	v1 =	vmul.u32 $0x8, v1;
	[dreg:$0x6] =	wrdreg s0;
	s6 =	sadd.s32 $0x300, s2;
	s0 =	simm.s32 $0x2  }
.LBB2_1:
0x1d: {  	s1 =	rddreg [dreg:$0x3]  }
0x1e: {  	[tilespmem:s3], [sflag:$0x3] =	stream.linear.gather [hbm4b:s1+s3], $0x20, $0x38;
	[tilespmem:$0x10100] =	vst v63  }
0x1f: {  	_ =	swait.ge [sflag:s8], $0x20  }
0x20: {  	[sflag:s8] =	ssyncset.done $0x0  }
0x21: {  	[sflag:s8] =	ssyncadd.s32 $0xFFFFFFE0  }
0x22: {  	v3 =	vld [tilespmem:$0x0];
	_ =	sdelay $0x4  }
0x23: {  	v4 =	vshll.u32 v3, $0x3  }
0x24: {  	v3 =	vand.u32 $0x7, v3;
	v4 =	vand.u32 $0xFFFFFFC0, v4  }
0x25: {  	v3 =	vor.u32 v3, v4  }
0x26: {  	v4 =	vperm.xlane v3, v0;
	_ =	sdelay $0x1  }
0x27: {  	v4 =	vadd.s32 v1, v4;
	_ =	sdelay $0x4  }
0x28: {  	[tilespmem:s9], [sflag:$0x1] =	stream.indirect_vreg.gather [hbm4b:s2+s3], $0x80, v4, vm0, $0xb8;
	[tilespmem:$0x10100] =	vst v63  }
0x29: {  	s1 =	rddreg [dreg:$0x7];
	v3 =	vperm.xlane v3, v2  }
0x2a: {  	[tilespmem:s1], [sflag:$0x1] =	stream.indirect_vreg.gather [hbm4b:s4+s3], $0x80, v4, vm0, $0xb8;
	[tilespmem:$0x10100] =	vst v63  }
0x2b: {  	s10 =	rddreg [dreg:$0x8];
	v3 =	vadd.s32 v1, v3  }
0x2c: {  	[tilespmem:s10], [sflag:$0x1] =	stream.indirect_vreg.gather [hbm4b:s5+s3], $0x80, v4, vm0, $0xb8;
	[tilespmem:$0x10100] =	vst v63  }
0x2d: {  	s1 =	rddreg [dreg:$0x9]  }
0x2e: {  	[tilespmem:s1], [sflag:$0x1] =	stream.indirect_vreg.gather [hbm4b:s6+s3], $0x80, v4, vm0, $0xb8;
	[tilespmem:$0x10100] =	vst v63  }
0x2f: {  	s10 =	rddreg [dreg:$0xa]  }
0x30: {  	[tilespmem:s10], [sflag:$0x1] =	stream.indirect_vreg.gather [hbm4b:s2+s3], $0x80, v3, vm0, $0xb8;
	[tilespmem:$0x10100] =	vst v63  }
0x31: {  	s1 =	rddreg [dreg:$0xb]  }
0x32: {  	[tilespmem:s1], [sflag:$0x1] =	stream.indirect_vreg.gather [hbm4b:s4+s3], $0x80, v3, vm0, $0xb8;
	[tilespmem:$0x10100] =	vst v63  }
0x33: {  	s10 =	rddreg [dreg:$0xc]  }
0x34: {  	[tilespmem:s10], [sflag:$0x1] =	stream.indirect_vreg.gather [hbm4b:s5+s3], $0x80, v3, vm0, $0xb8;
	[tilespmem:$0x10100] =	vst v63  }
0x35: {  	s1 =	rddreg [dreg:$0xd]  }
0x36: {  	[tilespmem:s1], [sflag:$0x1] =	stream.indirect_vreg.gather [hbm4b:s6+s3], $0x80, v3, vm0, $0xb8;
	[tilespmem:$0x10100] =	vst v63  }
0x37: {  	v3 =	vld [tilespmem:$0x10];
	_ =	sdelay $0x4  }
0x38: {  	v61 =	vshll.u32 v3, $0x3  }
0x39: {  	v3 =	vand.u32 $0x7, v3;
	v4 =	vand.u32 $0xFFFFFFC0, v61  }
0x3a: {  	v3 =	vor.u32 v3, v4  }
0x3b: {  	v4 =	vperm.xlane v3, v0;
	_ =	sdelay $0x1  }
0x3c: {  	v4 =	vadd.s32 v1, v4;
	_ =	sdelay $0x3  }
0x3d: {  	s1 =	rddreg [dreg:$0xe]  }
0x3e: {  	[tilespmem:s1], [sflag:$0x1] =	stream.indirect_vreg.gather [hbm4b:s2+s3], $0x80, v4, vm0, $0xb8;
	[tilespmem:$0x10100] =	vst v63  }
0x3f: {  	s10 =	rddreg [dreg:$0xf];
	v3 =	vperm.xlane v3, v2  }
0x40: {  	[tilespmem:s10], [sflag:$0x1] =	stream.indirect_vreg.gather [hbm4b:s4+s3], $0x80, v4, vm0, $0xb8;
	[tilespmem:$0x10100] =	vst v63  }
0x41: {  	v3 =	vadd.s32 v1, v3;
	s1 =	rddreg [dreg:$0x10]  }
0x42: {  	[tilespmem:s1], [sflag:$0x1] =	stream.indirect_vreg.gather [hbm4b:s5+s3], $0x80, v4, vm0, $0xb8;
	[tilespmem:$0x10100] =	vst v63  }
0x43: {  	s10 =	rddreg [dreg:$0x11]  }
0x44: {  	[tilespmem:s10], [sflag:$0x1] =	stream.indirect_vreg.gather [hbm4b:s6+s3], $0x80, v4, vm0, $0xb8;
	[tilespmem:$0x10100] =	vst v63  }
0x45: {  	s1 =	rddreg [dreg:$0x12]  }
0x46: {  	[tilespmem:s1], [sflag:$0x1] =	stream.indirect_vreg.gather [hbm4b:s2+s3], $0x80, v3, vm0, $0xb8;
	[tilespmem:$0x10100] =	vst v63  }
0x47: {  	s10 =	simm.s32 $0x6900  }
0x48: {  	[tilespmem:s10], [sflag:$0x1] =	stream.indirect_vreg.gather [hbm4b:s4+s3], $0x80, v3, vm0, $0xb8;
	[tilespmem:$0x10100] =	vst v63  }
0x49: {  	_ = 	snop  }
0x4a: {  	[tilespmem:s11], [sflag:$0x1] =	stream.indirect_vreg.gather [hbm4b:s5+s3], $0x80, v3, vm0, $0xb8;
	[tilespmem:$0x10100] =	vst v63  }
0x4b: {  	_ = 	snop  }
0x4c: {  	[tilespmem:s12], [sflag:$0x1] =	stream.indirect_vreg.gather [hbm4b:s6+s3], $0x80, v3, vm0, $0xb8;
	[tilespmem:$0x10100] =	vst v63  }
0x4d: {  	s10 =	rddreg [dreg:$0x4]  }
0x4e: {  	[tilespmem:s13], [sflag:$0x3] =	stream.linear.gather [hbm4b:s10+s3], $0x20, $0x38;
	[tilespmem:$0x10100] =	vst v63  }
0x4f: {  	_ =	swait.ge [sflag:s8], $0x20  }
0x50: {  	[sflag:s8] =	ssyncset.done $0x0  }
0x51: {  	[sflag:s8] =	ssyncadd.s32 $0xFFFFFFE0  }
0x52: {  	v3 =	vld [tilespmem:$0x80];
	_ =	sdelay $0x4  }
0x53: {  	v62 =	vshll.u32 v3, $0x3  }
0x54: {  	v3 =	vand.u32 $0x7, v3;
	v4 =	vand.u32 $0xFFFFFFC0, v62  }
0x55: {  	v3 =	vor.u32 v3, v4  }
0x56: {  	v4 =	vperm.xlane v3, v0;
	_ =	sdelay $0x1  }
0x57: {  	v4 =	vadd.s32 v1, v4;
	_ =	sdelay $0x4  }
0x58: {  	[tilespmem:s14], [sflag:$0x2] =	stream.indirect_vreg.gather [hbm4b:s2+s3], $0x80, v4, vm0, $0xb8;
	[tilespmem:$0x10100] =	vst v63  }
0x59: {  	v3 =	vperm.xlane v3, v2  }
0x5a: {  	[tilespmem:s15], [sflag:$0x2] =	stream.indirect_vreg.gather [hbm4b:s4+s3], $0x80, v4, vm0, $0xb8;
	[tilespmem:$0x10100] =	vst v63  }
0x5b: {  	v3 =	vadd.s32 v1, v3  }
0x5c: {  	[tilespmem:s16], [sflag:$0x2] =	stream.indirect_vreg.gather [hbm4b:s5+s3], $0x80, v4, vm0, $0xb8;
	[tilespmem:$0x10100] =	vst v63  }
0x5d: {  	_ = 	snop  }
0x5e: {  	[tilespmem:s17], [sflag:$0x2] =	stream.indirect_vreg.gather [hbm4b:s6+s3], $0x80, v4, vm0, $0xb8;
	[tilespmem:$0x10100] =	vst v63  }
0x5f: {  	_ = 	snop  }
0x60: {  	[tilespmem:s18], [sflag:$0x2] =	stream.indirect_vreg.gather [hbm4b:s2+s3], $0x80, v3, vm0, $0xb8;
	[tilespmem:$0x10100] =	vst v63  }
0x61: {  	_ = 	snop  }
0x62: {  	[tilespmem:s19], [sflag:$0x2] =	stream.indirect_vreg.gather [hbm4b:s4+s3], $0x80, v3, vm0, $0xb8;
	[tilespmem:$0x10100] =	vst v63  }
0x63: {  	_ = 	snop  }
0x64: {  	[tilespmem:s20], [sflag:$0x2] =	stream.indirect_vreg.gather [hbm4b:s5+s3], $0x80, v3, vm0, $0xb8;
	[tilespmem:$0x10100] =	vst v63  }
0x65: {  	_ = 	snop  }
0x66: {  	[tilespmem:s21], [sflag:$0x2] =	stream.indirect_vreg.gather [hbm4b:s6+s3], $0x80, v3, vm0, $0xb8;
	[tilespmem:$0x10100] =	vst v63  }
0x67: {  	v3 =	vld [tilespmem:$0x90];
	_ =	sdelay $0x4  }
0x68: {  	v63 =	vshll.u32 v3, $0x3  }
0x69: {  	v3 =	vand.u32 $0x7, v3;
	v4 =	vand.u32 $0xFFFFFFC0, v63  }
0x6a: {  	v3 =	vor.u32 v3, v4  }
0x6b: {  	v4 =	vperm.xlane v3, v0;
	_ =	sdelay $0x1  }
0x6c: {  	v4 =	vadd.s32 v1, v4;
	_ =	sdelay $0x4  }
0x6d: {  	[tilespmem:s22], [sflag:$0x2] =	stream.indirect_vreg.gather [hbm4b:s2+s3], $0x80, v4, vm0, $0xb8;
	[tilespmem:$0x10100] =	vst v63  }
0x6e: {  	v3 =	vperm.xlane v3, v2  }
0x6f: {  	[tilespmem:s23], [sflag:$0x2] =	stream.indirect_vreg.gather [hbm4b:s4+s3], $0x80, v4, vm0, $0xb8;
	[tilespmem:$0x10100] =	vst v63  }
0x70: {  	v3 =	vadd.s32 v1, v3  }
0x71: {  	[tilespmem:s24], [sflag:$0x2] =	stream.indirect_vreg.gather [hbm4b:s5+s3], $0x80, v4, vm0, $0xb8;
	[tilespmem:$0x10100] =	vst v63  }
0x72: {  	_ = 	snop  }
0x73: {  	[tilespmem:s25], [sflag:$0x2] =	stream.indirect_vreg.gather [hbm4b:s6+s3], $0x80, v4, vm0, $0xb8;
	[tilespmem:$0x10100] =	vst v63  }
0x74: {  	_ = 	snop  }
0x75: {  	[tilespmem:s26], [sflag:$0x2] =	stream.indirect_vreg.gather [hbm4b:s2+s3], $0x80, v3, vm0, $0xb8;
	[tilespmem:$0x10100] =	vst v63  }
0x76: {  	_ = 	snop  }
0x77: {  	[tilespmem:s28], [sflag:$0x2] =	stream.indirect_vreg.gather [hbm4b:s4+s3], $0x80, v3, vm0, $0xb8;
	[tilespmem:$0x10100] =	vst v63  }
0x78: {  	_ = 	snop  }
0x79: {  	[tilespmem:s29], [sflag:$0x2] =	stream.indirect_vreg.gather [hbm4b:s5+s3], $0x80, v3, vm0, $0xb8;
	[tilespmem:$0x10100] =	vst v63  }
0x7a: {  	_ = 	snop  }
0x7b: {  	[tilespmem:s30], [sflag:$0x2] =	stream.indirect_vreg.gather [hbm4b:s6+s3], $0x80, v3, vm0, $0xb8;
	[tilespmem:$0x10100] =	vst v63  }
0x7c: {  	_ =	swait.ge [sflag:s31], $0x8000  }
0x7d: {  	[sflag:s31] =	ssyncset.done $0x0  }
0x7e: {  	s10 =	rddreg [dreg:$0x5];
	[sflag:s31] =	ssyncadd.s32 $0xFFFF8000  }
0x7f: {  	[hbm4b:s10+s3] =	stream.linear.scatter [tilespmem:s9], [sflag:$0x1], $0x8000, $0x38;
	[tilespmem:$0x10100] =	vst v63  }
0x80: {  	_ =	swait.ge [sflag:s0], $0x8000  }
0x81: {  	[sflag:s0] =	ssyncset.done $0x0  }
0x82: {  	s10 =	rddreg [dreg:$0x6];
	[sflag:s0] =	ssyncadd.s32 $0xFFFF8000  }
0x83: {  	[hbm4b:s10+s3] =	stream.linear.scatter [tilespmem:s14], [sflag:$0x2], $0x8000, $0x38;
	[tilespmem:$0x10100] =	vst v63  }
0x84: {  	p0 =	sne.s32 s7, $0x1;
	_ =	swait.ge [sflag:s31], $0x8000  }
.Ltmp0:
0x85: {  	[sflag:s31] =	ssyncset.done $0x0;
	(pc) =	sbr.rel @p0 .LBB2_1-.Ltmp0, $4  }
0x86: {  	[sflag:s31] =	ssyncadd.s32 $0xFFFF8000  }
0x87: {  	_ =	swait.ge [sflag:s0], $0x8000  }
0x88: {  	[sflag:s0] =	ssyncset.done $0x0  }
0x89: {  	s7 =	sadd.s32 $0xFFFFFFFF, s7;
	[sflag:s0] =	ssyncadd.s32 $0xFFFF8000  }
0x8a: {  	_ =	sfence.sel $0x180000  }
0x8b: {  	[bflag:$0x0] =	sbarrier.arrive $0xFFFF  }
0x8c: {  	_ =	strace $0x9000004A  }
0x8d: {  	s0 =	stileid.u32;
	[bflag:$0x2] =	sbarrier.arrive $0xFFFF  }
0x8e: {  	p0 =	sne.s32 s0, $0x0;
	s0 =	rddreg [dreg:$0x2]  }
0x8f: {  	s0 =	sadd.s32 @!p0 $0x100000, s0  }
0x90: {  	[sflag:s0] =	ssyncadd.tile.s32 @!p0 $0x1;
	_ =	shalt  }
.Lfunc_end2:
_tile_overlayer_lowered:
.L_overlay_start_2:
0x91: {  	(tag) =	ssettag $0x2  }
0x92: {  	s0 =	rddreg [dreg:$0x0];
	s2 =	stileid.u32  }
0x93: {  	s1 =	rddreg [dreg:$0x1];
	p0 =	sne.s32 s2, $0x0  }
0x94: {  	s3 =	rddreg [dreg:$0x2];
	[bflag:$0x3] =	sbarrier.arrive $0xFFFF;
	s2 =	simm.s32 @!p0 $0x1C03  }
0x95: {  	[timem:s3], [sflag:s2] =	dma.local @!p0 [hbm:s0], s1  }
0x96: {  	s0 =	simm.s32 @!p0 $0x3  }
0x97: {  	_ =	swait.ge @!p0 [sflag:s0], s1  }
0x98: {  	s1 =	ssub.s32 @!p0 $0x0, s1;
	[sflag:s0] =	ssyncset.done @!p0 $0x0  }
0x99: {  	[sflag:s0] =	ssyncadd.s32 @!p0 s1  }
0x9a: {  	[bflag:$0x3] =	sbarrier.arrive $0xFFFF  }
0x9b: {  	_ =	shalt  }

// kernel: kernel.16.cloned.1.call-start
scs
__scs_entry_jumppad:
0x0: {  	(pc) =	sbr.rel $0x88, $3  }
0x1: {  	(tag) =	ssettag $0x0;
	lr =	simm.s32 $0x1  }
0x2: {  	[smem:$0x3F9B] =	sst lr;
	_ =	strace $0xD0000000  }
0x3: {  	_ = 	snop  }
0x4: {  	_ = 	snop  }
0x5: {  	_ = 	snop  }
0x6: {  	_ = 	snop  }
0x7: {  	_ = 	snop  }
__scs_overlays_trampoline_lowered:
0x8: {  	[smem:$0x3FAA] =	sst s0  }
0x9: {  	[smem:$0x3FAB] =	sst s1  }
0xa: {  	[smem:$0x3FAC] =	sst s2  }
0xb: {  	[smem:$0x3FAD] =	sst s3  }
0xc: {  	[smem:$0x3FAE] =	sst s4  }
0xd: {  	[smem:$0x3FAF] =	sst s5  }
0xe: {  	[smem:$0x3FB0] =	sst s6  }
0xf: {  	[smem:$0x3FB1] =	sst s7  }
0x10: {  	[smem:$0x3FB2] =	sst s8  }
0x11: {  	[smem:$0x3FB3] =	sst s9;
	s0 =	simm.s32 @!p0 $0x0  }
0x12: {  	s1 =	sld [smem:$0x3F99];
	s0 =	simm.s32 @p0 $0x1  }
0x13: {  	[smem:$0x3FB4] =	sst s0;
	s0 =	simm.s32 @!p1 $0x0  }
0x14: {  	s2 =	sld [smem:$0x3F98];
	s0 =	simm.s32 @p1 $0x1  }
0x15: {  	[smem:$0x3FB5] =	sst s0;
	s0 =	simm.s32 @!p2 $0x0  }
0x16: {  	s3 =	sld [smem:$0x3FDB];
	s0 =	simm.s32 @p2 $0x1  }
0x17: {  	s4 =	simm.s32 $0x1BF5;
	[smem:$0x3FB7] =	sst s0  }
0x18: {  	s0 =	sld [smem:$0x3F9A];
	_ =	swait.ge [sflag:s4], $0x0  }
0x19: {  	s7 =	sld [smem:$0x3F9B]  }
0x1a: {  	s8 =	sadd.s32 $0xFFFFE003, lr  }
0x1b: {  	s9 =	sadd.s32 $0xFFFFFEF7, lr;
	s5 =	simm.s32 $0xFFFFFFFF;
	p2 =	slt.u32 s8, $0xFFFFF086  }
0x1c: {  	p1 =	slt.u32 s9, $0xF7A;
	s5 =	simm.s32 @!p2 $0x0  }
0x1d: {  	s5 =	simm.s32 @p1 $0x1;
	p0 =	seq.s32 s7, s2  }
0x1e: {  	s7 =	smul.u32 @!p0 $0xF7A, s2;
	p2 =	seq.s32 @!p0 s5, $0x0  }
0x1f: {  	s9 =	smul.u32 $0xF7A, s1;
	s8 =	simm.s32 @!p0 $0x1BF5;
	p2 =	por !p2, p0  }
0x20: {  	[sflag:s8] =	ssyncset.s32 @!p0 $0xFFFFF086;
	s6 =	sadd.s32 @!p0 s3, s7;
	s7 =	simm.s32 @!p0 $0x108  }
0x21: {  	s3 =	sadd.s32 s3, s9;
	s6 =	sadd.s32 @!p0 $0x88, s6;
	s7 =	simm.s32 @p2 $0x1082  }
0x22: {  	[simem:s7], [sflag:s8] =	dma.local @!p0 [hbm:s6], $0xF7A  }
0x23: {  	s9 =	sor.u32 $0xD0000000, s2;
	s6 =	simm.s32 $0x108;
	_ =	swait.ge @!p0 [sflag:s8], $0x0  }
0x24: {  	s3 =	sadd.s32 $0x88, s3;
	s6 =	simm.s32 @!p1 $0x1082;
	[sflag:s4] =	ssyncset.s32 $0xFFFFF086  }
0x25: {  	[simem:s6], [sflag:s4] =	dma.local [hbm:s3], $0xF7A  }
0x26: {  	[smem:$0x3F9B] =	sst s1;
	(tag) =	ssettag s2;
	_ =	strace s9  }
0x27: {  	s1 =	sld [smem:$0x3FAB]  }
0x28: {  	s2 =	sld [smem:$0x3FAC]  }
0x29: {  	s4 =	sld [smem:$0x3FAE]  }
0x2a: {  	p0 =	seq.s32 s5, $0x0;
	s5 =	sld [smem:$0x3FAF]  }
0x2b: {  	s6 =	sld [smem:$0x3FB0]  }
0x2c: {  	s7 =	sld [smem:$0x3FB1]  }
0x2d: {  	s3 =	simm.s32 $0x108;
	s8 =	sld [smem:$0x3FB2]  }
0x2e: {  	s3 =	simm.s32 @!p0 $0x1082;
	s9 =	sld [smem:$0x3FB3]  }
0x2f: {  	lr =	sadd.s32 s0, s3;
	s0 =	sld [smem:$0x3FAA]  }
0x30: {  	s3 =	sld [smem:$0x3FAD]  }
0x31: {  	[smem:$0x3FB6] =	sst s10  }
0x32: {  	s10 =	sld [smem:$0x3FB4];
	_ =	sdelay $0x3  }
0x33: {  	p0 =	seq.s32 s10, $0x1;
	s10 =	sld [smem:$0x3FB6];
	_ =	sdelay $0x3  }
0x34: {  	[smem:$0x3FB6] =	sst s10  }
0x35: {  	s10 =	sld [smem:$0x3FB5];
	_ =	sdelay $0x3  }
0x36: {  	p1 =	seq.s32 s10, $0x1;
	s10 =	sld [smem:$0x3FB6];
	_ =	sdelay $0x3  }
0x37: {  	[smem:$0x3FB6] =	sst s10  }
0x38: {  	s10 =	sld [smem:$0x3FB7]  }
0x39: {  	_ = 	snop;
	(pc) =	sbr.ind lr, $3  }
0x3a: {  	_ = 	snop  }
0x3b: {  	_ = 	snop  }
0x3c: {  	p2 =	seq.s32 s10, $0x1;
	s10 =	sld [smem:$0x3FB6]  }
0x3d: {  	_ =	shalt  }
0x3e: {  	_ =	shalt  }
0x3f: {  	_ =	shalt  }
0x40: {  	_ =	shalt  }
0x41: {  	_ =	shalt  }
0x42: {  	_ =	shalt  }
0x43: {  	_ =	shalt  }
0x44: {  	_ =	shalt  }
0x45: {  	_ =	shalt  }
0x46: {  	_ =	shalt  }
0x47: {  	_ =	shalt  }
0x48: {  	_ =	shalt  }
0x49: {  	_ =	shalt  }
0x4a: {  	_ =	shalt  }
0x4b: {  	_ =	shalt  }
0x4c: {  	_ =	shalt  }
0x4d: {  	_ =	shalt  }
0x4e: {  	_ =	shalt  }
0x4f: {  	_ =	shalt  }
0x50: {  	_ =	shalt  }
0x51: {  	_ =	shalt  }
0x52: {  	_ =	shalt  }
0x53: {  	_ =	shalt  }
0x54: {  	_ =	shalt  }
0x55: {  	_ =	shalt  }
0x56: {  	_ =	shalt  }
0x57: {  	_ =	shalt  }
0x58: {  	_ =	shalt  }
0x59: {  	_ =	shalt  }
0x5a: {  	_ =	shalt  }
0x5b: {  	_ =	shalt  }
0x5c: {  	_ =	shalt  }
0x5d: {  	_ =	shalt  }
0x5e: {  	_ =	shalt  }
0x5f: {  	_ =	shalt  }
0x60: {  	_ =	shalt  }
0x61: {  	_ =	shalt  }
0x62: {  	_ =	shalt  }
0x63: {  	_ =	shalt  }
0x64: {  	_ =	shalt  }
0x65: {  	_ =	shalt  }
0x66: {  	_ =	shalt  }
0x67: {  	_ =	shalt  }
0x68: {  	_ =	shalt  }
0x69: {  	_ =	shalt  }
0x6a: {  	_ =	shalt  }
0x6b: {  	_ =	shalt  }
0x6c: {  	_ =	shalt  }
0x6d: {  	_ =	shalt  }
0x6e: {  	_ =	shalt  }
0x6f: {  	_ =	shalt  }
0x70: {  	_ =	shalt  }
0x71: {  	_ =	shalt  }
0x72: {  	_ =	shalt  }
0x73: {  	_ =	shalt  }
0x74: {  	_ =	shalt  }
0x75: {  	_ =	shalt  }
0x76: {  	_ =	shalt  }
0x77: {  	_ =	shalt  }
0x78: {  	_ =	shalt  }
0x79: {  	_ =	shalt  }
0x7a: {  	_ =	shalt  }
0x7b: {  	_ =	shalt  }
0x7c: {  	_ =	shalt  }
0x7d: {  	_ =	shalt  }
0x7e: {  	_ =	shalt  }
0x7f: {  	_ =	shalt  }
0x80: {  	_ =	shalt  }
0x81: {  	_ =	shalt  }
0x82: {  	_ =	shalt  }
0x83: {  	_ =	shalt  }
0x84: {  	_ =	shalt  }
0x85: {  	_ =	shalt  }
0x86: {  	_ =	shalt  }
0x87: {  	_ =	shalt  }
.Lfunc_end0:
.L_simem_size_0:
called_computation.2_lowered:
.L_overlay_start_0:
0x88: {  	s2 =	sld [smem:$0x3FD9]  }
0x89: {  	s3 =	sld [smem:$0x3FFE];
	_ =	sdelay $0x1  }
0x8a: {  	s1 =	srdreg.scid  }
0x8b: {  	s0 =	sand.u32 $0x1, s1  }
0x8c: {  	s17 =	sshll.u32 s0, $0xA;
	s2 =	sadd.s32 s3, s2  }
0x8d: {  	s2 =	sadd.s32 s2, s17  }
0x8e: {  	[smem:$0x3FC2] =	sst s2  }
0x8f: {  	_ = 	snop  }
0x90: {  	s18 =	sld [smem:$0x3FC7];
	(tm) =	ssettm $0x1  }
0x91: {  	s19 =	sld [smem:$0x3FFB];
	_ =	sdelay $0x3  }
0x92: {  	_ =	strace s19  }
0x93: {  	s2 =	sld [smem:$0x3FFC];
	_ =	sdelay $0x3  }
0x94: {  	_ =	strace s2  }
0x95: {  	s2 =	sld [smem:$0x3FFD];
	_ =	sdelay $0x3  }
0x96: {  	_ =	strace s2  }
0x97: {  	_ =	strace $0x8FFFFFFF  }
0x98: {  	s20 =	sld [smem:$0x3FDB];
	_ =	sdelay $0x1  }
0x99: {  	s4 =	simm.s32 $_scs_section_size  }
0x9a: {  	s5 =	simm.s32 $_size__tile_overlayer_lowered;
	s6 =	simm.s32 $_tile_overlayer_lowered  }
0x9b: {  	s7 =	simm.s32 $0x1BFF;
	s21 =	sshll.u32 s6, $0x1;
	s4 =	sadd.s32 s4, s20  }
0x9c: {  	s22 =	simm.s32 $0x0;
	s5 =	sshll.u32 s5, $0x1;
	s6 =	sadd.s32 s21, s4  }
0x9d: {  	[timem:s22], [sflag:s7] =	dma.local [hbm:s6], s5  }
0x9e: {  	_ =	swait.ge [sflag:s7], s5  }
0x9f: {  	s5 =	ssub.s32 $0x0, s5;
	[sflag:s7] =	ssyncset.done $0x0  }
0xa0: {  	[sflag:s7] =	ssyncadd.s32 s5;
	_ =	sdelay $0x1  }
0xa1: {  	s23 =	simm.s32 $0x1B8B  }
0xa2: {  	_ =	swait.ge [sflag:s23], $0x1  }
0xa3: {  	[sflag:s23] =	ssyncset.done $0x0  }
0xa4: {  	[sflag:s23] =	ssyncadd.s32 $0xFFFFFFFF  }
0xa5: {  	s5 =	sld [smem:$0x0]  }
0xa6: {  	s6 =	sand.u32 $0xFFFFFFFE, s1  }
0xa7: {  	p0 =	sne.s32 s1, s6  }
0xa8: {  	s6 =	sshll.u32 @p0 s6, $0xE  }
0xa9: {  	s6 =	sadd.s32 @p0 $0x11B8D, s6;
	s7 =	sshll.u32 @p0 s5, $0x11  }
0xaa: {  	s6 =	sor.u32 @p0 s7, s6  }
0xab: {  	[sflag:s6] =	ssyncadd.remote.s32 @p0 $0x1;
	_ =	sdelay $0x1  }
0xac: {  	s6 =	simm.s32 @p0 $0x1B8D  }
0xad: {  	_ =	swait.eq @p0 [sflag:s6], $0x1  }
0xae: {  	[sflag:s6] =	ssyncadd.s32 @p0 $0xFFFFFFFF  }
0xaf: {  	s7 =	sshll.u32 @!p0 s1, $0xE  }
0xb0: {  	s7 =	sor.u32 @!p0 $0x4000, s7;
	s6 =	simm.s32 @!p0 $0x1B8D  }
0xb1: {  	s5 =	sshll.u32 @!p0 s5, $0x11;
	s7 =	sadd.s32 @!p0 $0x11B8D, s7;
	_ =	swait.eq @!p0 [sflag:s6], $0x1  }
0xb2: {  	s5 =	sor.u32 @!p0 s5, s7;
	[sflag:s6] =	ssyncadd.s32 @!p0 $0xFFFFFFFF  }
0xb3: {  	s25 =	simm.s32 $0x1B8E;
	s24 =	sld [smem:$0x3FFE];
	[sflag:s5] =	ssyncadd.remote.s32 @!p0 $0x1  }
0xb4: {  	s26 =	simm.s32 $execute0_lowered;
	[smem:$0x3FD2] =	sst s25  }
0xb5: {  	s6 =	sshll.u32 s26, $0x1;
	_ =	strace $0x8000004C;
	[dreg:$0x1] =	wrdreg $0xFFFFFFFF  }
0xb6: {  	s28 =	simm.s32 $_size_execute0_lowered;
	s4 =	sadd.s32 s4, s6;
	[dreg:$0x0] =	wrdreg $0x0  }
0xb7: {  	s6 =	sshll.u32 s28, $0x1;
	[dreg:$0x2] =	wrdreg s4  }
0xb8: {  	[dreg:$0x3] =	wrdreg s6  }
0xb9: {  	[dreg:$0x4] =	wrdreg $0xC0  }
0xba: {  	_ =	task [dreg:s22], $0x5FFFF  }
0xbb: {  	[dreg:$0x1] =	wrdreg $0xFFFFFFFF  }
0xbc: {  	[dreg:$0x0] =	wrdreg $0x60  }
0xbd: {  	[dreg:$0x2] =	wrdreg s24  }
0xbe: {  	[dreg:$0x3] =	wrdreg s18  }
0xbf: {  	[dreg:$0x4] =	wrdreg $0xB  }
0xc0: {  	_ =	task.clear_ibuf [dreg:s22], $0x5FFFF;
	_ =	strace $0x9000004C  }
0xc1: {  	s29 =	simm.s32 $0xB;
	_ =	strace $0x8000004E  }
0xc2: {  	_ =	swait.ge [sflag:s29], $0x1  }
0xc3: {  	[sflag:s29] =	ssyncadd.s32 $0xFFFFFFFF  }
0xc4: {  	_ =	strace $0x9000004E  }
0xc5: {  	_ =	sfence  }
0xc6: {  	s30 =	sld [smem:$0x0];
	_ =	sdelay $0x2  }
0xc7: {  	s31 =	sshll.u32 s1, $0xD;
	s1 =	sshrl.u32 s1, $0x2  }
0xc8: {  	s4 =	sand.u32 $0x4000, s31;
	s1 =	sadd.s32 s1, s30  }
0xc9: {  	s0 =	sor.u32 s4, s0;
	s1 =	sshll.u32 s1, $0x11  }
0xca: {  	s0 =	sor.u32 s1, s0  }
0xcb: {  	s0 =	sadd.s32 $0x8F2B, s0  }
0xcc: {  	[sflag:s0] =	ssyncadd.remote.s32 $0x1  }
0xcd: {  	_ =	sfence.sel $0xFFFF  }
0xce: {  	[dreg:$0x0] =	wrdreg $0xFFFFFFFF;
	(pc) =	sbr.abs _section_cstart, $3  }
0xcf: {  	[dreg:$0x1] =	wrdreg $0xFFFFFFFF  }
0xd0: {  	_ =	task.clear_ibuf [dreg:s22], $0x2FFFF;
	_ =	strace $0x9FFFFFFF  }
0xd1: {  	(tm) =	ssettm $0x7FFFFFFF  }
tec
execute0_lowered:
.L_overlay_start_1:
0x0: {  	(tag) =	ssettag $0x1  }
0x1: {  	s0 =	rddreg [dreg:$0x0]  }
0x2: {  	s2 =	rddreg [dreg:$0x1];
	s3 =	simm.s32 $0x0  }
0x3: {  	s13 =	simm.s32 $0x900;
	[smem:$0x7FF] =	sst s3  }
0x4: {  	s14 =	simm.s32 $0x1100;
	_ =	strace $0x8000004D;
	[dreg:$0x7] =	wrdreg s13  }
0x5: {  	s4 =	srdreg.scid;
	s15 =	simm.s32 $0x1900;
	[dreg:$0x8] =	wrdreg s14  }
0x6: {  	s1 =	stileid.u32;
	s16 =	simm.s32 $0x2100;
	[dreg:$0x9] =	wrdreg s15  }
0x7: {  	s17 =	simm.s32 $0x2900;
	s19 =	simm.s32 $0x3100;
	[dreg:$0xa] =	wrdreg s16  }
0x8: {  	s21 =	simm.s32 $0x3900;
	s22 =	simm.s32 $0x4100;
	[dreg:$0xb] =	wrdreg s17  }
0x9: {  	s23 =	simm.s32 $0x4900;
	s24 =	simm.s32 $0x5100;
	[dreg:$0xc] =	wrdreg s19  }
0xa: {  	s25 =	simm.s32 $0x5900;
	s26 =	simm.s32 $0x6100;
	[dreg:$0xd] =	wrdreg s21  }
0xb: {  	s28 =	simm.s32 $0xE900;
	s29 =	simm.s32 $0xF100;
	[dreg:$0xe] =	wrdreg s22  }
0xc: {  	s30 =	simm.s32 $0xF900;
	s31 =	simm.s32 $0x1;
	[dreg:$0xf] =	wrdreg s23  }
0xd: {  	s4 =	sand.u32 $0x1, s4;
	s5 =	sshll.u32 s1, $0x7;
	[dreg:$0x10] =	wrdreg s24  }
0xe: {  	s11 =	sadd.s32 $0x2C00, s0;
	s0 =	sadd.s32 $0x43000, s0;
	[dreg:$0x11] =	wrdreg s25  }
0xf: {  	s6 =	sshll.u32 s4, $0x6;
	s4 =	ssub.s32 $0x2, s4;
	[dreg:$0x12] =	wrdreg s26  }
0x10: {  	s13 =	simm.s32 $0x80;
	s14 =	simm.s32 $0x8100;
	s15 =	simm.s32 $0x8900  }
0x11: {  	s16 =	simm.s32 $0x9100;
	s17 =	simm.s32 $0x9900;
	s19 =	simm.s32 $0xA900  }
0x12: {  	s21 =	simm.s32 $0xB900;
	s22 =	simm.s32 $0xC100;
	s23 =	simm.s32 $0xC900  }
0x13: {  	s24 =	simm.s32 $0xD100;
	s25 =	simm.s32 $0xD900;
	s5 =	sor.u32 s6, s5  }
0x14: {  	s26 =	simm.s32 $0xE100;
	s18 =	sshrl.u32 s4, $0x1;
	s7 =	sshrl.u32 s5, $0x3  }
0x15: {  	s8 =	sor.u32 $0x20, s5;
	s5 =	sshll.u32 s5, $0x7;
	s20 =	ssub.s32 s4, s18  }
0x16: {  	s4 =	sadd.s32 $0x100, s2;
	s18 =	simm.s32 $0xA100;
	s7 =	sadd.s32 s11, s7  }
0x17: {  	s9 =	sshrl.u32 s8, $0x3;
	s5 =	sadd.s32 s0, s5;
	s12 =	sshll.u32 s8, $0x7  }
0x18: {  	s8 =	simm.s32 $0x3;
	[dreg:$0x3] =	wrdreg s7;
	s6 =	sadd.s32 s11, s9  }
0x19: {  	[dreg:$0x5] =	wrdreg s5;
	s0 =	sadd.s32 s0, s12;
	s5 =	sadd.s32 $0x200, s2  }
0x1a: {  	v2 =	vlaneseq.u32;
	s7 =	smax.u32 s20, $0x1;
	s9 =	simm.s32 $0x100;
	s11 =	simm.s32 $0x7100  }
0x1b: {  	vm0 =	vmmov $0xffff;
	v1 =	vshrl.u32 v2, $0x3;
	s12 =	simm.s32 $0x7900;
	s20 =	simm.s32 $0xB100;
	[dreg:$0x4] =	wrdreg s6  }
0x1c: {  	v0 =	vand.u32 $0x7, v2;
	v2 =	vor.u32 $0x8, v2;
	v1 =	vmul.u32 $0x8, v1;
	[dreg:$0x6] =	wrdreg s0;
	s6 =	sadd.s32 $0x300, s2;
	s0 =	simm.s32 $0x2  }
.LBB2_1:
0x1d: {  	s1 =	rddreg [dreg:$0x3]  }
0x1e: {  	[tilespmem:s3], [sflag:$0x3] =	stream.linear.gather [hbm4b:s1+s3], $0x20, $0x38;
	[tilespmem:$0x10100] =	vst v63  }
0x1f: {  	_ =	swait.ge [sflag:s8], $0x20  }
0x20: {  	[sflag:s8] =	ssyncset.done $0x0  }
0x21: {  	[sflag:s8] =	ssyncadd.s32 $0xFFFFFFE0  }
0x22: {  	v3 =	vld [tilespmem:$0x0];
	_ =	sdelay $0x4  }
0x23: {  	v4 =	vshll.u32 v3, $0x3  }
0x24: {  	v3 =	vand.u32 $0x7, v3;
	v4 =	vand.u32 $0xFFFFFFC0, v4  }
0x25: {  	v3 =	vor.u32 v3, v4  }
0x26: {  	v4 =	vperm.xlane v3, v0;
	_ =	sdelay $0x1  }
0x27: {  	v4 =	vadd.s32 v1, v4;
	_ =	sdelay $0x4  }
0x28: {  	[tilespmem:s9], [sflag:$0x1] =	stream.indirect_vreg.gather [hbm4b:s2+s3], $0x80, v4, vm0, $0xb8;
	[tilespmem:$0x10100] =	vst v63  }
0x29: {  	s1 =	rddreg [dreg:$0x7];
	v3 =	vperm.xlane v3, v2  }
0x2a: {  	[tilespmem:s1], [sflag:$0x1] =	stream.indirect_vreg.gather [hbm4b:s4+s3], $0x80, v4, vm0, $0xb8;
	[tilespmem:$0x10100] =	vst v63  }
0x2b: {  	s10 =	rddreg [dreg:$0x8];
	v3 =	vadd.s32 v1, v3  }
0x2c: {  	[tilespmem:s10], [sflag:$0x1] =	stream.indirect_vreg.gather [hbm4b:s5+s3], $0x80, v4, vm0, $0xb8;
	[tilespmem:$0x10100] =	vst v63  }
0x2d: {  	s1 =	rddreg [dreg:$0x9]  }
0x2e: {  	[tilespmem:s1], [sflag:$0x1] =	stream.indirect_vreg.gather [hbm4b:s6+s3], $0x80, v4, vm0, $0xb8;
	[tilespmem:$0x10100] =	vst v63  }
0x2f: {  	s10 =	rddreg [dreg:$0xa]  }
0x30: {  	[tilespmem:s10], [sflag:$0x1] =	stream.indirect_vreg.gather [hbm4b:s2+s3], $0x80, v3, vm0, $0xb8;
	[tilespmem:$0x10100] =	vst v63  }
0x31: {  	s1 =	rddreg [dreg:$0xb]  }
0x32: {  	[tilespmem:s1], [sflag:$0x1] =	stream.indirect_vreg.gather [hbm4b:s4+s3], $0x80, v3, vm0, $0xb8;
	[tilespmem:$0x10100] =	vst v63  }
0x33: {  	s10 =	rddreg [dreg:$0xc]  }
0x34: {  	[tilespmem:s10], [sflag:$0x1] =	stream.indirect_vreg.gather [hbm4b:s5+s3], $0x80, v3, vm0, $0xb8;
	[tilespmem:$0x10100] =	vst v63  }
0x35: {  	s1 =	rddreg [dreg:$0xd]  }
0x36: {  	[tilespmem:s1], [sflag:$0x1] =	stream.indirect_vreg.gather [hbm4b:s6+s3], $0x80, v3, vm0, $0xb8;
	[tilespmem:$0x10100] =	vst v63  }
0x37: {  	v3 =	vld [tilespmem:$0x10];
	_ =	sdelay $0x4  }
0x38: {  	v61 =	vshll.u32 v3, $0x3  }
0x39: {  	v3 =	vand.u32 $0x7, v3;
	v4 =	vand.u32 $0xFFFFFFC0, v61  }
0x3a: {  	v3 =	vor.u32 v3, v4  }
0x3b: {  	v4 =	vperm.xlane v3, v0;
	_ =	sdelay $0x1  }
0x3c: {  	v4 =	vadd.s32 v1, v4;
	_ =	sdelay $0x3  }
0x3d: {  	s1 =	rddreg [dreg:$0xe]  }
0x3e: {  	[tilespmem:s1], [sflag:$0x1] =	stream.indirect_vreg.gather [hbm4b:s2+s3], $0x80, v4, vm0, $0xb8;
	[tilespmem:$0x10100] =	vst v63  }
0x3f: {  	s10 =	rddreg [dreg:$0xf];
	v3 =	vperm.xlane v3, v2  }
0x40: {  	[tilespmem:s10], [sflag:$0x1] =	stream.indirect_vreg.gather [hbm4b:s4+s3], $0x80, v4, vm0, $0xb8;
	[tilespmem:$0x10100] =	vst v63  }
0x41: {  	v3 =	vadd.s32 v1, v3;
	s1 =	rddreg [dreg:$0x10]  }
0x42: {  	[tilespmem:s1], [sflag:$0x1] =	stream.indirect_vreg.gather [hbm4b:s5+s3], $0x80, v4, vm0, $0xb8;
	[tilespmem:$0x10100] =	vst v63  }
0x43: {  	s10 =	rddreg [dreg:$0x11]  }
0x44: {  	[tilespmem:s10], [sflag:$0x1] =	stream.indirect_vreg.gather [hbm4b:s6+s3], $0x80, v4, vm0, $0xb8;
	[tilespmem:$0x10100] =	vst v63  }
0x45: {  	s1 =	rddreg [dreg:$0x12]  }
0x46: {  	[tilespmem:s1], [sflag:$0x1] =	stream.indirect_vreg.gather [hbm4b:s2+s3], $0x80, v3, vm0, $0xb8;
	[tilespmem:$0x10100] =	vst v63  }
0x47: {  	s10 =	simm.s32 $0x6900  }
0x48: {  	[tilespmem:s10], [sflag:$0x1] =	stream.indirect_vreg.gather [hbm4b:s4+s3], $0x80, v3, vm0, $0xb8;
	[tilespmem:$0x10100] =	vst v63  }
0x49: {  	_ = 	snop  }
0x4a: {  	[tilespmem:s11], [sflag:$0x1] =	stream.indirect_vreg.gather [hbm4b:s5+s3], $0x80, v3, vm0, $0xb8;
	[tilespmem:$0x10100] =	vst v63  }
0x4b: {  	_ = 	snop  }
0x4c: {  	[tilespmem:s12], [sflag:$0x1] =	stream.indirect_vreg.gather [hbm4b:s6+s3], $0x80, v3, vm0, $0xb8;
	[tilespmem:$0x10100] =	vst v63  }
0x4d: {  	s10 =	rddreg [dreg:$0x4]  }
0x4e: {  	[tilespmem:s13], [sflag:$0x3] =	stream.linear.gather [hbm4b:s10+s3], $0x20, $0x38;
	[tilespmem:$0x10100] =	vst v63  }
0x4f: {  	_ =	swait.ge [sflag:s8], $0x20  }
0x50: {  	[sflag:s8] =	ssyncset.done $0x0  }
0x51: {  	[sflag:s8] =	ssyncadd.s32 $0xFFFFFFE0  }
0x52: {  	v3 =	vld [tilespmem:$0x80];
	_ =	sdelay $0x4  }
0x53: {  	v62 =	vshll.u32 v3, $0x3  }
0x54: {  	v3 =	vand.u32 $0x7, v3;
	v4 =	vand.u32 $0xFFFFFFC0, v62  }
0x55: {  	v3 =	vor.u32 v3, v4  }
0x56: {  	v4 =	vperm.xlane v3, v0;
	_ =	sdelay $0x1  }
0x57: {  	v4 =	vadd.s32 v1, v4;
	_ =	sdelay $0x4  }
0x58: {  	[tilespmem:s14], [sflag:$0x2] =	stream.indirect_vreg.gather [hbm4b:s2+s3], $0x80, v4, vm0, $0xb8;
	[tilespmem:$0x10100] =	vst v63  }
0x59: {  	v3 =	vperm.xlane v3, v2  }
0x5a: {  	[tilespmem:s15], [sflag:$0x2] =	stream.indirect_vreg.gather [hbm4b:s4+s3], $0x80, v4, vm0, $0xb8;
	[tilespmem:$0x10100] =	vst v63  }
0x5b: {  	v3 =	vadd.s32 v1, v3  }
0x5c: {  	[tilespmem:s16], [sflag:$0x2] =	stream.indirect_vreg.gather [hbm4b:s5+s3], $0x80, v4, vm0, $0xb8;
	[tilespmem:$0x10100] =	vst v63  }
0x5d: {  	_ = 	snop  }
0x5e: {  	[tilespmem:s17], [sflag:$0x2] =	stream.indirect_vreg.gather [hbm4b:s6+s3], $0x80, v4, vm0, $0xb8;
	[tilespmem:$0x10100] =	vst v63  }
0x5f: {  	_ = 	snop  }
0x60: {  	[tilespmem:s18], [sflag:$0x2] =	stream.indirect_vreg.gather [hbm4b:s2+s3], $0x80, v3, vm0, $0xb8;
	[tilespmem:$0x10100] =	vst v63  }
0x61: {  	_ = 	snop  }
0x62: {  	[tilespmem:s19], [sflag:$0x2] =	stream.indirect_vreg.gather [hbm4b:s4+s3], $0x80, v3, vm0, $0xb8;
	[tilespmem:$0x10100] =	vst v63  }
0x63: {  	_ = 	snop  }
0x64: {  	[tilespmem:s20], [sflag:$0x2] =	stream.indirect_vreg.gather [hbm4b:s5+s3], $0x80, v3, vm0, $0xb8;
	[tilespmem:$0x10100] =	vst v63  }
0x65: {  	_ = 	snop  }
0x66: {  	[tilespmem:s21], [sflag:$0x2] =	stream.indirect_vreg.gather [hbm4b:s6+s3], $0x80, v3, vm0, $0xb8;
	[tilespmem:$0x10100] =	vst v63  }
0x67: {  	v3 =	vld [tilespmem:$0x90];
	_ =	sdelay $0x4  }
0x68: {  	v63 =	vshll.u32 v3, $0x3  }
0x69: {  	v3 =	vand.u32 $0x7, v3;
	v4 =	vand.u32 $0xFFFFFFC0, v63  }
0x6a: {  	v3 =	vor.u32 v3, v4  }
0x6b: {  	v4 =	vperm.xlane v3, v0;
	_ =	sdelay $0x1  }
0x6c: {  	v4 =	vadd.s32 v1, v4;
	_ =	sdelay $0x4  }
0x6d: {  	[tilespmem:s22], [sflag:$0x2] =	stream.indirect_vreg.gather [hbm4b:s2+s3], $0x80, v4, vm0, $0xb8;
	[tilespmem:$0x10100] =	vst v63  }
0x6e: {  	v3 =	vperm.xlane v3, v2  }
0x6f: {  	[tilespmem:s23], [sflag:$0x2] =	stream.indirect_vreg.gather [hbm4b:s4+s3], $0x80, v4, vm0, $0xb8;
	[tilespmem:$0x10100] =	vst v63  }
0x70: {  	v3 =	vadd.s32 v1, v3  }
0x71: {  	[tilespmem:s24], [sflag:$0x2] =	stream.indirect_vreg.gather [hbm4b:s5+s3], $0x80, v4, vm0, $0xb8;
	[tilespmem:$0x10100] =	vst v63  }
0x72: {  	_ = 	snop  }
0x73: {  	[tilespmem:s25], [sflag:$0x2] =	stream.indirect_vreg.gather [hbm4b:s6+s3], $0x80, v4, vm0, $0xb8;
	[tilespmem:$0x10100] =	vst v63  }
0x74: {  	_ = 	snop  }
0x75: {  	[tilespmem:s26], [sflag:$0x2] =	stream.indirect_vreg.gather [hbm4b:s2+s3], $0x80, v3, vm0, $0xb8;
	[tilespmem:$0x10100] =	vst v63  }
0x76: {  	_ = 	snop  }
0x77: {  	[tilespmem:s28], [sflag:$0x2] =	stream.indirect_vreg.gather [hbm4b:s4+s3], $0x80, v3, vm0, $0xb8;
	[tilespmem:$0x10100] =	vst v63  }
0x78: {  	_ = 	snop  }
0x79: {  	[tilespmem:s29], [sflag:$0x2] =	stream.indirect_vreg.gather [hbm4b:s5+s3], $0x80, v3, vm0, $0xb8;
	[tilespmem:$0x10100] =	vst v63  }
0x7a: {  	_ = 	snop  }
0x7b: {  	[tilespmem:s30], [sflag:$0x2] =	stream.indirect_vreg.gather [hbm4b:s6+s3], $0x80, v3, vm0, $0xb8;
	[tilespmem:$0x10100] =	vst v63  }
0x7c: {  	_ =	swait.ge [sflag:s31], $0x8000  }
0x7d: {  	[sflag:s31] =	ssyncset.done $0x0  }
0x7e: {  	s10 =	rddreg [dreg:$0x5];
	[sflag:s31] =	ssyncadd.s32 $0xFFFF8000  }
0x7f: {  	[hbm4b:s10+s3] =	stream.linear.scatter [tilespmem:s9], [sflag:$0x1], $0x8000, $0x38;
	[tilespmem:$0x10100] =	vst v63  }
0x80: {  	_ =	swait.ge [sflag:s0], $0x8000  }
0x81: {  	[sflag:s0] =	ssyncset.done $0x0  }
0x82: {  	s10 =	rddreg [dreg:$0x6];
	[sflag:s0] =	ssyncadd.s32 $0xFFFF8000  }
0x83: {  	[hbm4b:s10+s3] =	stream.linear.scatter [tilespmem:s14], [sflag:$0x2], $0x8000, $0x38;
	[tilespmem:$0x10100] =	vst v63  }
0x84: {  	p0 =	sne.s32 s7, $0x1;
	_ =	swait.ge [sflag:s31], $0x8000  }
.Ltmp0:
0x85: {  	[sflag:s31] =	ssyncset.done $0x0;
	(pc) =	sbr.rel @p0 .LBB2_1-.Ltmp0, $4  }
0x86: {  	[sflag:s31] =	ssyncadd.s32 $0xFFFF8000  }
0x87: {  	_ =	swait.ge [sflag:s0], $0x8000  }
0x88: {  	[sflag:s0] =	ssyncset.done $0x0  }
0x89: {  	s7 =	sadd.s32 $0xFFFFFFFF, s7;
	[sflag:s0] =	ssyncadd.s32 $0xFFFF8000  }
0x8a: {  	_ =	sfence.sel $0x180000  }
0x8b: {  	[bflag:$0x0] =	sbarrier.arrive $0xFFFF  }
0x8c: {  	_ =	strace $0x9000004D  }
0x8d: {  	s0 =	stileid.u32;
	[bflag:$0x2] =	sbarrier.arrive $0xFFFF  }
0x8e: {  	p0 =	sne.s32 s0, $0x0;
	s0 =	rddreg [dreg:$0x2]  }
0x8f: {  	s0 =	sadd.s32 @!p0 $0x100000, s0  }
0x90: {  	[sflag:s0] =	ssyncadd.tile.s32 @!p0 $0x1;
	_ =	shalt  }
.Lfunc_end2:
_tile_overlayer_lowered:
.L_overlay_start_2:
0x91: {  	(tag) =	ssettag $0x2  }
0x92: {  	s0 =	rddreg [dreg:$0x0];
	s2 =	stileid.u32  }
0x93: {  	s1 =	rddreg [dreg:$0x1];
	p0 =	sne.s32 s2, $0x0  }
0x94: {  	s3 =	rddreg [dreg:$0x2];
	[bflag:$0x3] =	sbarrier.arrive $0xFFFF;
	s2 =	simm.s32 @!p0 $0x1C03  }
0x95: {  	[timem:s3], [sflag:s2] =	dma.local @!p0 [hbm:s0], s1  }
0x96: {  	s0 =	simm.s32 @!p0 $0x3  }
0x97: {  	_ =	swait.ge @!p0 [sflag:s0], s1  }
0x98: {  	s1 =	ssub.s32 @!p0 $0x0, s1;
	[sflag:s0] =	ssyncset.done @!p0 $0x0  }
0x99: {  	[sflag:s0] =	ssyncadd.s32 @!p0 s1  }
0x9a: {  	[bflag:$0x3] =	sbarrier.arrive $0xFFFF  }
0x9b: {  	_ =	shalt  }

// kernel: kernel.19.cloned.1.call-start
scs
__scs_entry_jumppad:
0x0: {  	(pc) =	sbr.rel $0x88, $3  }
0x1: {  	(tag) =	ssettag $0x0;
	lr =	simm.s32 $0x1  }
0x2: {  	[smem:$0x3F9B] =	sst lr;
	_ =	strace $0xD0000000  }
0x3: {  	_ = 	snop  }
0x4: {  	_ = 	snop  }
0x5: {  	_ = 	snop  }
0x6: {  	_ = 	snop  }
0x7: {  	_ = 	snop  }
__scs_overlays_trampoline_lowered:
0x8: {  	[smem:$0x3FAA] =	sst s0  }
0x9: {  	[smem:$0x3FAB] =	sst s1  }
0xa: {  	[smem:$0x3FAC] =	sst s2  }
0xb: {  	[smem:$0x3FAD] =	sst s3  }
0xc: {  	[smem:$0x3FAE] =	sst s4  }
0xd: {  	[smem:$0x3FAF] =	sst s5  }
0xe: {  	[smem:$0x3FB0] =	sst s6  }
0xf: {  	[smem:$0x3FB1] =	sst s7  }
0x10: {  	[smem:$0x3FB2] =	sst s8  }
0x11: {  	[smem:$0x3FB3] =	sst s9;
	s0 =	simm.s32 @!p0 $0x0  }
0x12: {  	s1 =	sld [smem:$0x3F99];
	s0 =	simm.s32 @p0 $0x1  }
0x13: {  	[smem:$0x3FB4] =	sst s0;
	s0 =	simm.s32 @!p1 $0x0  }
0x14: {  	s2 =	sld [smem:$0x3F98];
	s0 =	simm.s32 @p1 $0x1  }
0x15: {  	[smem:$0x3FB5] =	sst s0;
	s0 =	simm.s32 @!p2 $0x0  }
0x16: {  	s3 =	sld [smem:$0x3FDB];
	s0 =	simm.s32 @p2 $0x1  }
0x17: {  	s4 =	simm.s32 $0x1BF5;
	[smem:$0x3FB7] =	sst s0  }
0x18: {  	s0 =	sld [smem:$0x3F9A];
	_ =	swait.ge [sflag:s4], $0x0  }
0x19: {  	s7 =	sld [smem:$0x3F9B]  }
0x1a: {  	s8 =	sadd.s32 $0xFFFFE003, lr  }
0x1b: {  	s9 =	sadd.s32 $0xFFFFFEF7, lr;
	s5 =	simm.s32 $0xFFFFFFFF;
	p2 =	slt.u32 s8, $0xFFFFF086  }
0x1c: {  	p1 =	slt.u32 s9, $0xF7A;
	s5 =	simm.s32 @!p2 $0x0  }
0x1d: {  	s5 =	simm.s32 @p1 $0x1;
	p0 =	seq.s32 s7, s2  }
0x1e: {  	s7 =	smul.u32 @!p0 $0xF7A, s2;
	p2 =	seq.s32 @!p0 s5, $0x0  }
0x1f: {  	s9 =	smul.u32 $0xF7A, s1;
	s8 =	simm.s32 @!p0 $0x1BF5;
	p2 =	por !p2, p0  }
0x20: {  	[sflag:s8] =	ssyncset.s32 @!p0 $0xFFFFF086;
	s6 =	sadd.s32 @!p0 s3, s7;
	s7 =	simm.s32 @!p0 $0x108  }
0x21: {  	s3 =	sadd.s32 s3, s9;
	s6 =	sadd.s32 @!p0 $0x88, s6;
	s7 =	simm.s32 @p2 $0x1082  }
0x22: {  	[simem:s7], [sflag:s8] =	dma.local @!p0 [hbm:s6], $0xF7A  }
0x23: {  	s9 =	sor.u32 $0xD0000000, s2;
	s6 =	simm.s32 $0x108;
	_ =	swait.ge @!p0 [sflag:s8], $0x0  }
0x24: {  	s3 =	sadd.s32 $0x88, s3;
	s6 =	simm.s32 @!p1 $0x1082;
	[sflag:s4] =	ssyncset.s32 $0xFFFFF086  }
0x25: {  	[simem:s6], [sflag:s4] =	dma.local [hbm:s3], $0xF7A  }
0x26: {  	[smem:$0x3F9B] =	sst s1;
	(tag) =	ssettag s2;
	_ =	strace s9  }
0x27: {  	s1 =	sld [smem:$0x3FAB]  }
0x28: {  	s2 =	sld [smem:$0x3FAC]  }
0x29: {  	s4 =	sld [smem:$0x3FAE]  }
0x2a: {  	p0 =	seq.s32 s5, $0x0;
	s5 =	sld [smem:$0x3FAF]  }
0x2b: {  	s6 =	sld [smem:$0x3FB0]  }
0x2c: {  	s7 =	sld [smem:$0x3FB1]  }
0x2d: {  	s3 =	simm.s32 $0x108;
	s8 =	sld [smem:$0x3FB2]  }
0x2e: {  	s3 =	simm.s32 @!p0 $0x1082;
	s9 =	sld [smem:$0x3FB3]  }
0x2f: {  	lr =	sadd.s32 s0, s3;
	s0 =	sld [smem:$0x3FAA]  }
0x30: {  	s3 =	sld [smem:$0x3FAD]  }
0x31: {  	[smem:$0x3FB6] =	sst s10  }
0x32: {  	s10 =	sld [smem:$0x3FB4];
	_ =	sdelay $0x3  }
0x33: {  	p0 =	seq.s32 s10, $0x1;
	s10 =	sld [smem:$0x3FB6];
	_ =	sdelay $0x3  }
0x34: {  	[smem:$0x3FB6] =	sst s10  }
0x35: {  	s10 =	sld [smem:$0x3FB5];
	_ =	sdelay $0x3  }
0x36: {  	p1 =	seq.s32 s10, $0x1;
	s10 =	sld [smem:$0x3FB6];
	_ =	sdelay $0x3  }
0x37: {  	[smem:$0x3FB6] =	sst s10  }
0x38: {  	s10 =	sld [smem:$0x3FB7]  }
0x39: {  	_ = 	snop;
	(pc) =	sbr.ind lr, $3  }
0x3a: {  	_ = 	snop  }
0x3b: {  	_ = 	snop  }
0x3c: {  	p2 =	seq.s32 s10, $0x1;
	s10 =	sld [smem:$0x3FB6]  }
0x3d: {  	_ =	shalt  }
0x3e: {  	_ =	shalt  }
0x3f: {  	_ =	shalt  }
0x40: {  	_ =	shalt  }
0x41: {  	_ =	shalt  }
0x42: {  	_ =	shalt  }
0x43: {  	_ =	shalt  }
0x44: {  	_ =	shalt  }
0x45: {  	_ =	shalt  }
0x46: {  	_ =	shalt  }
0x47: {  	_ =	shalt  }
0x48: {  	_ =	shalt  }
0x49: {  	_ =	shalt  }
0x4a: {  	_ =	shalt  }
0x4b: {  	_ =	shalt  }
0x4c: {  	_ =	shalt  }
0x4d: {  	_ =	shalt  }
0x4e: {  	_ =	shalt  }
0x4f: {  	_ =	shalt  }
0x50: {  	_ =	shalt  }
0x51: {  	_ =	shalt  }
0x52: {  	_ =	shalt  }
0x53: {  	_ =	shalt  }
0x54: {  	_ =	shalt  }
0x55: {  	_ =	shalt  }
0x56: {  	_ =	shalt  }
0x57: {  	_ =	shalt  }
0x58: {  	_ =	shalt  }
0x59: {  	_ =	shalt  }
0x5a: {  	_ =	shalt  }
0x5b: {  	_ =	shalt  }
0x5c: {  	_ =	shalt  }
0x5d: {  	_ =	shalt  }
0x5e: {  	_ =	shalt  }
0x5f: {  	_ =	shalt  }
0x60: {  	_ =	shalt  }
0x61: {  	_ =	shalt  }
0x62: {  	_ =	shalt  }
0x63: {  	_ =	shalt  }
0x64: {  	_ =	shalt  }
0x65: {  	_ =	shalt  }
0x66: {  	_ =	shalt  }
0x67: {  	_ =	shalt  }
0x68: {  	_ =	shalt  }
0x69: {  	_ =	shalt  }
0x6a: {  	_ =	shalt  }
0x6b: {  	_ =	shalt  }
0x6c: {  	_ =	shalt  }
0x6d: {  	_ =	shalt  }
0x6e: {  	_ =	shalt  }
0x6f: {  	_ =	shalt  }
0x70: {  	_ =	shalt  }
0x71: {  	_ =	shalt  }
0x72: {  	_ =	shalt  }
0x73: {  	_ =	shalt  }
0x74: {  	_ =	shalt  }
0x75: {  	_ =	shalt  }
0x76: {  	_ =	shalt  }
0x77: {  	_ =	shalt  }
0x78: {  	_ =	shalt  }
0x79: {  	_ =	shalt  }
0x7a: {  	_ =	shalt  }
0x7b: {  	_ =	shalt  }
0x7c: {  	_ =	shalt  }
0x7d: {  	_ =	shalt  }
0x7e: {  	_ =	shalt  }
0x7f: {  	_ =	shalt  }
0x80: {  	_ =	shalt  }
0x81: {  	_ =	shalt  }
0x82: {  	_ =	shalt  }
0x83: {  	_ =	shalt  }
0x84: {  	_ =	shalt  }
0x85: {  	_ =	shalt  }
0x86: {  	_ =	shalt  }
0x87: {  	_ =	shalt  }
.Lfunc_end0:
.L_simem_size_0:
called_computation.3_lowered:
.L_overlay_start_0:
0x88: {  	s2 =	sld [smem:$0x3FD9]  }
0x89: {  	s3 =	sld [smem:$0x3FFE];
	_ =	sdelay $0x1  }
0x8a: {  	s1 =	srdreg.scid  }
0x8b: {  	s0 =	sand.u32 $0x1, s1  }
0x8c: {  	s17 =	sshll.u32 s0, $0xA;
	s2 =	sadd.s32 s3, s2  }
0x8d: {  	s2 =	sadd.s32 s2, s17  }
0x8e: {  	[smem:$0x3FC2] =	sst s2  }
0x8f: {  	_ = 	snop  }
0x90: {  	s18 =	sld [smem:$0x3FC7];
	(tm) =	ssettm $0x1  }
0x91: {  	s19 =	sld [smem:$0x3FFB];
	_ =	sdelay $0x3  }
0x92: {  	_ =	strace s19  }
0x93: {  	s2 =	sld [smem:$0x3FFC];
	_ =	sdelay $0x3  }
0x94: {  	_ =	strace s2  }
0x95: {  	s2 =	sld [smem:$0x3FFD];
	_ =	sdelay $0x3  }
0x96: {  	_ =	strace s2  }
0x97: {  	_ =	strace $0x8FFFFFFF  }
0x98: {  	s20 =	sld [smem:$0x3FDB];
	_ =	sdelay $0x1  }
0x99: {  	s4 =	simm.s32 $_scs_section_size  }
0x9a: {  	s5 =	simm.s32 $_size__tile_overlayer_lowered;
	s6 =	simm.s32 $_tile_overlayer_lowered  }
0x9b: {  	s7 =	simm.s32 $0x1BFF;
	s21 =	sshll.u32 s6, $0x1;
	s4 =	sadd.s32 s4, s20  }
0x9c: {  	s22 =	simm.s32 $0x0;
	s5 =	sshll.u32 s5, $0x1;
	s6 =	sadd.s32 s21, s4  }
0x9d: {  	[timem:s22], [sflag:s7] =	dma.local [hbm:s6], s5  }
0x9e: {  	_ =	swait.ge [sflag:s7], s5  }
0x9f: {  	s5 =	ssub.s32 $0x0, s5;
	[sflag:s7] =	ssyncset.done $0x0  }
0xa0: {  	[sflag:s7] =	ssyncadd.s32 s5;
	_ =	sdelay $0x1  }
0xa1: {  	s23 =	simm.s32 $0x1B8B  }
0xa2: {  	_ =	swait.ge [sflag:s23], $0x1  }
0xa3: {  	[sflag:s23] =	ssyncset.done $0x0  }
0xa4: {  	[sflag:s23] =	ssyncadd.s32 $0xFFFFFFFF  }
0xa5: {  	s5 =	sld [smem:$0x0]  }
0xa6: {  	s6 =	sand.u32 $0xFFFFFFFE, s1  }
0xa7: {  	p0 =	sne.s32 s1, s6  }
0xa8: {  	s6 =	sshll.u32 @p0 s6, $0xE  }
0xa9: {  	s6 =	sadd.s32 @p0 $0x11B8D, s6;
	s7 =	sshll.u32 @p0 s5, $0x11  }
0xaa: {  	s6 =	sor.u32 @p0 s7, s6  }
0xab: {  	[sflag:s6] =	ssyncadd.remote.s32 @p0 $0x1;
	_ =	sdelay $0x1  }
0xac: {  	s6 =	simm.s32 @p0 $0x1B8D  }
0xad: {  	_ =	swait.eq @p0 [sflag:s6], $0x1  }
0xae: {  	[sflag:s6] =	ssyncadd.s32 @p0 $0xFFFFFFFF  }
0xaf: {  	s7 =	sshll.u32 @!p0 s1, $0xE  }
0xb0: {  	s7 =	sor.u32 @!p0 $0x4000, s7;
	s6 =	simm.s32 @!p0 $0x1B8D  }
0xb1: {  	s5 =	sshll.u32 @!p0 s5, $0x11;
	s7 =	sadd.s32 @!p0 $0x11B8D, s7;
	_ =	swait.eq @!p0 [sflag:s6], $0x1  }
0xb2: {  	s5 =	sor.u32 @!p0 s5, s7;
	[sflag:s6] =	ssyncadd.s32 @!p0 $0xFFFFFFFF  }
0xb3: {  	s25 =	simm.s32 $0x1B8E;
	s24 =	sld [smem:$0x3FFE];
	[sflag:s5] =	ssyncadd.remote.s32 @!p0 $0x1  }
0xb4: {  	s26 =	simm.s32 $execute0_lowered;
	[smem:$0x3FD2] =	sst s25  }
0xb5: {  	s6 =	sshll.u32 s26, $0x1;
	_ =	strace $0x8000004F;
	[dreg:$0x1] =	wrdreg $0xFFFFFFFF  }
0xb6: {  	s28 =	simm.s32 $_size_execute0_lowered;
	s4 =	sadd.s32 s4, s6;
	[dreg:$0x0] =	wrdreg $0x0  }
0xb7: {  	s6 =	sshll.u32 s28, $0x1;
	[dreg:$0x2] =	wrdreg s4  }
0xb8: {  	[dreg:$0x3] =	wrdreg s6  }
0xb9: {  	[dreg:$0x4] =	wrdreg $0xC0  }
0xba: {  	_ =	task [dreg:s22], $0x5FFFF  }
0xbb: {  	[dreg:$0x1] =	wrdreg $0xFFFFFFFF  }
0xbc: {  	[dreg:$0x0] =	wrdreg $0x60  }
0xbd: {  	[dreg:$0x2] =	wrdreg s24  }
0xbe: {  	[dreg:$0x3] =	wrdreg s18  }
0xbf: {  	[dreg:$0x4] =	wrdreg $0xC  }
0xc0: {  	_ =	task.clear_ibuf [dreg:s22], $0x5FFFF;
	_ =	strace $0x9000004F  }
0xc1: {  	s29 =	simm.s32 $0xC;
	_ =	strace $0x80000051  }
0xc2: {  	_ =	swait.ge [sflag:s29], $0x1  }
0xc3: {  	[sflag:s29] =	ssyncadd.s32 $0xFFFFFFFF  }
0xc4: {  	_ =	strace $0x90000051  }
0xc5: {  	_ =	sfence  }
0xc6: {  	s30 =	sld [smem:$0x0];
	_ =	sdelay $0x2  }
0xc7: {  	s31 =	sshll.u32 s1, $0xD;
	s1 =	sshrl.u32 s1, $0x2  }
0xc8: {  	s4 =	sand.u32 $0x4000, s31;
	s1 =	sadd.s32 s1, s30  }
0xc9: {  	s0 =	sor.u32 s4, s0;
	s1 =	sshll.u32 s1, $0x11  }
0xca: {  	s0 =	sor.u32 s1, s0  }
0xcb: {  	s0 =	sadd.s32 $0x8F2B, s0  }
0xcc: {  	[sflag:s0] =	ssyncadd.remote.s32 $0x1  }
0xcd: {  	_ =	sfence.sel $0xFFFF  }
0xce: {  	[dreg:$0x0] =	wrdreg $0xFFFFFFFF;
	(pc) =	sbr.abs _section_cstart, $3  }
0xcf: {  	[dreg:$0x1] =	wrdreg $0xFFFFFFFF  }
0xd0: {  	_ =	task.clear_ibuf [dreg:s22], $0x2FFFF;
	_ =	strace $0x9FFFFFFF  }
0xd1: {  	(tm) =	ssettm $0x7FFFFFFF  }
tec
execute0_lowered:
.L_overlay_start_1:
0x0: {  	(tag) =	ssettag $0x1  }
0x1: {  	s0 =	rddreg [dreg:$0x0]  }
0x2: {  	s2 =	rddreg [dreg:$0x1];
	s3 =	simm.s32 $0x0  }
0x3: {  	s13 =	simm.s32 $0x900;
	[smem:$0x7FF] =	sst s3  }
0x4: {  	s14 =	simm.s32 $0x1100;
	_ =	strace $0x80000050;
	[dreg:$0x7] =	wrdreg s13  }
0x5: {  	s4 =	srdreg.scid;
	s15 =	simm.s32 $0x1900;
	[dreg:$0x8] =	wrdreg s14  }
0x6: {  	s1 =	stileid.u32;
	s16 =	simm.s32 $0x2100;
	[dreg:$0x9] =	wrdreg s15  }
0x7: {  	s17 =	simm.s32 $0x2900;
	s19 =	simm.s32 $0x3100;
	[dreg:$0xa] =	wrdreg s16  }
0x8: {  	s21 =	simm.s32 $0x3900;
	s22 =	simm.s32 $0x4100;
	[dreg:$0xb] =	wrdreg s17  }
0x9: {  	s23 =	simm.s32 $0x4900;
	s24 =	simm.s32 $0x5100;
	[dreg:$0xc] =	wrdreg s19  }
0xa: {  	s25 =	simm.s32 $0x5900;
	s26 =	simm.s32 $0x6100;
	[dreg:$0xd] =	wrdreg s21  }
0xb: {  	s28 =	simm.s32 $0xE900;
	s29 =	simm.s32 $0xF100;
	[dreg:$0xe] =	wrdreg s22  }
0xc: {  	s30 =	simm.s32 $0xF900;
	s31 =	simm.s32 $0x1;
	[dreg:$0xf] =	wrdreg s23  }
0xd: {  	s4 =	sand.u32 $0x1, s4;
	s5 =	sshll.u32 s1, $0x7;
	[dreg:$0x10] =	wrdreg s24  }
0xe: {  	s11 =	sadd.s32 $0x2E00, s0;
	s0 =	sadd.s32 $0x83000, s0;
	[dreg:$0x11] =	wrdreg s25  }
0xf: {  	s6 =	sshll.u32 s4, $0x6;
	s4 =	ssub.s32 $0x2, s4;
	[dreg:$0x12] =	wrdreg s26  }
0x10: {  	s13 =	simm.s32 $0x80;
	s14 =	simm.s32 $0x8100;
	s15 =	simm.s32 $0x8900  }
0x11: {  	s16 =	simm.s32 $0x9100;
	s17 =	simm.s32 $0x9900;
	s19 =	simm.s32 $0xA900  }
0x12: {  	s21 =	simm.s32 $0xB900;
	s22 =	simm.s32 $0xC100;
	s23 =	simm.s32 $0xC900  }
0x13: {  	s24 =	simm.s32 $0xD100;
	s25 =	simm.s32 $0xD900;
	s5 =	sor.u32 s6, s5  }
0x14: {  	s26 =	simm.s32 $0xE100;
	s18 =	sshrl.u32 s4, $0x1;
	s7 =	sshrl.u32 s5, $0x3  }
0x15: {  	s8 =	sor.u32 $0x20, s5;
	s5 =	sshll.u32 s5, $0x7;
	s20 =	ssub.s32 s4, s18  }
0x16: {  	s4 =	sadd.s32 $0x100, s2;
	s18 =	simm.s32 $0xA100;
	s7 =	sadd.s32 s11, s7  }
0x17: {  	s9 =	sshrl.u32 s8, $0x3;
	s5 =	sadd.s32 s0, s5;
	s12 =	sshll.u32 s8, $0x7  }
0x18: {  	s8 =	simm.s32 $0x3;
	[dreg:$0x3] =	wrdreg s7;
	s6 =	sadd.s32 s11, s9  }
0x19: {  	[dreg:$0x5] =	wrdreg s5;
	s0 =	sadd.s32 s0, s12;
	s5 =	sadd.s32 $0x200, s2  }
0x1a: {  	v2 =	vlaneseq.u32;
	s7 =	smax.u32 s20, $0x1;
	s9 =	simm.s32 $0x100;
	s11 =	simm.s32 $0x7100  }
0x1b: {  	vm0 =	vmmov $0xffff;
	v1 =	vshrl.u32 v2, $0x3;
	s12 =	simm.s32 $0x7900;
	s20 =	simm.s32 $0xB100;
	[dreg:$0x4] =	wrdreg s6  }
0x1c: {  	v0 =	vand.u32 $0x7, v2;
	v2 =	vor.u32 $0x8, v2;
	v1 =	vmul.u32 $0x8, v1;
	[dreg:$0x6] =	wrdreg s0;
	s6 =	sadd.s32 $0x300, s2;
	s0 =	simm.s32 $0x2  }
.LBB2_1:
0x1d: {  	s1 =	rddreg [dreg:$0x3]  }
0x1e: {  	[tilespmem:s3], [sflag:$0x3] =	stream.linear.gather [hbm4b:s1+s3], $0x20, $0x38;
	[tilespmem:$0x10100] =	vst v63  }
0x1f: {  	_ =	swait.ge [sflag:s8], $0x20  }
0x20: {  	[sflag:s8] =	ssyncset.done $0x0  }
0x21: {  	[sflag:s8] =	ssyncadd.s32 $0xFFFFFFE0  }
0x22: {  	v3 =	vld [tilespmem:$0x0];
	_ =	sdelay $0x4  }
0x23: {  	v4 =	vshll.u32 v3, $0x3  }
0x24: {  	v3 =	vand.u32 $0x7, v3;
	v4 =	vand.u32 $0xFFFFFFC0, v4  }
0x25: {  	v3 =	vor.u32 v3, v4  }
0x26: {  	v4 =	vperm.xlane v3, v0;
	_ =	sdelay $0x1  }
0x27: {  	v4 =	vadd.s32 v1, v4;
	_ =	sdelay $0x4  }
0x28: {  	[tilespmem:s9], [sflag:$0x1] =	stream.indirect_vreg.gather [hbm4b:s2+s3], $0x80, v4, vm0, $0xb8;
	[tilespmem:$0x10100] =	vst v63  }
0x29: {  	s1 =	rddreg [dreg:$0x7];
	v3 =	vperm.xlane v3, v2  }
0x2a: {  	[tilespmem:s1], [sflag:$0x1] =	stream.indirect_vreg.gather [hbm4b:s4+s3], $0x80, v4, vm0, $0xb8;
	[tilespmem:$0x10100] =	vst v63  }
0x2b: {  	s10 =	rddreg [dreg:$0x8];
	v3 =	vadd.s32 v1, v3  }
0x2c: {  	[tilespmem:s10], [sflag:$0x1] =	stream.indirect_vreg.gather [hbm4b:s5+s3], $0x80, v4, vm0, $0xb8;
	[tilespmem:$0x10100] =	vst v63  }
0x2d: {  	s1 =	rddreg [dreg:$0x9]  }
0x2e: {  	[tilespmem:s1], [sflag:$0x1] =	stream.indirect_vreg.gather [hbm4b:s6+s3], $0x80, v4, vm0, $0xb8;
	[tilespmem:$0x10100] =	vst v63  }
0x2f: {  	s10 =	rddreg [dreg:$0xa]  }
0x30: {  	[tilespmem:s10], [sflag:$0x1] =	stream.indirect_vreg.gather [hbm4b:s2+s3], $0x80, v3, vm0, $0xb8;
	[tilespmem:$0x10100] =	vst v63  }
0x31: {  	s1 =	rddreg [dreg:$0xb]  }
0x32: {  	[tilespmem:s1], [sflag:$0x1] =	stream.indirect_vreg.gather [hbm4b:s4+s3], $0x80, v3, vm0, $0xb8;
	[tilespmem:$0x10100] =	vst v63  }
0x33: {  	s10 =	rddreg [dreg:$0xc]  }
0x34: {  	[tilespmem:s10], [sflag:$0x1] =	stream.indirect_vreg.gather [hbm4b:s5+s3], $0x80, v3, vm0, $0xb8;
	[tilespmem:$0x10100] =	vst v63  }
0x35: {  	s1 =	rddreg [dreg:$0xd]  }
0x36: {  	[tilespmem:s1], [sflag:$0x1] =	stream.indirect_vreg.gather [hbm4b:s6+s3], $0x80, v3, vm0, $0xb8;
	[tilespmem:$0x10100] =	vst v63  }
0x37: {  	v3 =	vld [tilespmem:$0x10];
	_ =	sdelay $0x4  }
0x38: {  	v61 =	vshll.u32 v3, $0x3  }
0x39: {  	v3 =	vand.u32 $0x7, v3;
	v4 =	vand.u32 $0xFFFFFFC0, v61  }
0x3a: {  	v3 =	vor.u32 v3, v4  }
0x3b: {  	v4 =	vperm.xlane v3, v0;
	_ =	sdelay $0x1  }
0x3c: {  	v4 =	vadd.s32 v1, v4;
	_ =	sdelay $0x3  }
0x3d: {  	s1 =	rddreg [dreg:$0xe]  }
0x3e: {  	[tilespmem:s1], [sflag:$0x1] =	stream.indirect_vreg.gather [hbm4b:s2+s3], $0x80, v4, vm0, $0xb8;
	[tilespmem:$0x10100] =	vst v63  }
0x3f: {  	s10 =	rddreg [dreg:$0xf];
	v3 =	vperm.xlane v3, v2  }
0x40: {  	[tilespmem:s10], [sflag:$0x1] =	stream.indirect_vreg.gather [hbm4b:s4+s3], $0x80, v4, vm0, $0xb8;
	[tilespmem:$0x10100] =	vst v63  }
0x41: {  	v3 =	vadd.s32 v1, v3;
	s1 =	rddreg [dreg:$0x10]  }
0x42: {  	[tilespmem:s1], [sflag:$0x1] =	stream.indirect_vreg.gather [hbm4b:s5+s3], $0x80, v4, vm0, $0xb8;
	[tilespmem:$0x10100] =	vst v63  }
0x43: {  	s10 =	rddreg [dreg:$0x11]  }
0x44: {  	[tilespmem:s10], [sflag:$0x1] =	stream.indirect_vreg.gather [hbm4b:s6+s3], $0x80, v4, vm0, $0xb8;
	[tilespmem:$0x10100] =	vst v63  }
0x45: {  	s1 =	rddreg [dreg:$0x12]  }
0x46: {  	[tilespmem:s1], [sflag:$0x1] =	stream.indirect_vreg.gather [hbm4b:s2+s3], $0x80, v3, vm0, $0xb8;
	[tilespmem:$0x10100] =	vst v63  }
0x47: {  	s10 =	simm.s32 $0x6900  }
0x48: {  	[tilespmem:s10], [sflag:$0x1] =	stream.indirect_vreg.gather [hbm4b:s4+s3], $0x80, v3, vm0, $0xb8;
	[tilespmem:$0x10100] =	vst v63  }
0x49: {  	_ = 	snop  }
0x4a: {  	[tilespmem:s11], [sflag:$0x1] =	stream.indirect_vreg.gather [hbm4b:s5+s3], $0x80, v3, vm0, $0xb8;
	[tilespmem:$0x10100] =	vst v63  }
0x4b: {  	_ = 	snop  }
0x4c: {  	[tilespmem:s12], [sflag:$0x1] =	stream.indirect_vreg.gather [hbm4b:s6+s3], $0x80, v3, vm0, $0xb8;
	[tilespmem:$0x10100] =	vst v63  }
0x4d: {  	s10 =	rddreg [dreg:$0x4]  }
0x4e: {  	[tilespmem:s13], [sflag:$0x3] =	stream.linear.gather [hbm4b:s10+s3], $0x20, $0x38;
	[tilespmem:$0x10100] =	vst v63  }
0x4f: {  	_ =	swait.ge [sflag:s8], $0x20  }
0x50: {  	[sflag:s8] =	ssyncset.done $0x0  }
0x51: {  	[sflag:s8] =	ssyncadd.s32 $0xFFFFFFE0  }
0x52: {  	v3 =	vld [tilespmem:$0x80];
	_ =	sdelay $0x4  }
0x53: {  	v62 =	vshll.u32 v3, $0x3  }
0x54: {  	v3 =	vand.u32 $0x7, v3;
	v4 =	vand.u32 $0xFFFFFFC0, v62  }
0x55: {  	v3 =	vor.u32 v3, v4  }
0x56: {  	v4 =	vperm.xlane v3, v0;
	_ =	sdelay $0x1  }
0x57: {  	v4 =	vadd.s32 v1, v4;
	_ =	sdelay $0x4  }
0x58: {  	[tilespmem:s14], [sflag:$0x2] =	stream.indirect_vreg.gather [hbm4b:s2+s3], $0x80, v4, vm0, $0xb8;
	[tilespmem:$0x10100] =	vst v63  }
0x59: {  	v3 =	vperm.xlane v3, v2  }
0x5a: {  	[tilespmem:s15], [sflag:$0x2] =	stream.indirect_vreg.gather [hbm4b:s4+s3], $0x80, v4, vm0, $0xb8;
	[tilespmem:$0x10100] =	vst v63  }
0x5b: {  	v3 =	vadd.s32 v1, v3  }
0x5c: {  	[tilespmem:s16], [sflag:$0x2] =	stream.indirect_vreg.gather [hbm4b:s5+s3], $0x80, v4, vm0, $0xb8;
	[tilespmem:$0x10100] =	vst v63  }
0x5d: {  	_ = 	snop  }
0x5e: {  	[tilespmem:s17], [sflag:$0x2] =	stream.indirect_vreg.gather [hbm4b:s6+s3], $0x80, v4, vm0, $0xb8;
	[tilespmem:$0x10100] =	vst v63  }
0x5f: {  	_ = 	snop  }
0x60: {  	[tilespmem:s18], [sflag:$0x2] =	stream.indirect_vreg.gather [hbm4b:s2+s3], $0x80, v3, vm0, $0xb8;
	[tilespmem:$0x10100] =	vst v63  }
0x61: {  	_ = 	snop  }
0x62: {  	[tilespmem:s19], [sflag:$0x2] =	stream.indirect_vreg.gather [hbm4b:s4+s3], $0x80, v3, vm0, $0xb8;
	[tilespmem:$0x10100] =	vst v63  }
0x63: {  	_ = 	snop  }
0x64: {  	[tilespmem:s20], [sflag:$0x2] =	stream.indirect_vreg.gather [hbm4b:s5+s3], $0x80, v3, vm0, $0xb8;
	[tilespmem:$0x10100] =	vst v63  }
0x65: {  	_ = 	snop  }
0x66: {  	[tilespmem:s21], [sflag:$0x2] =	stream.indirect_vreg.gather [hbm4b:s6+s3], $0x80, v3, vm0, $0xb8;
	[tilespmem:$0x10100] =	vst v63  }
0x67: {  	v3 =	vld [tilespmem:$0x90];
	_ =	sdelay $0x4  }
0x68: {  	v63 =	vshll.u32 v3, $0x3  }
0x69: {  	v3 =	vand.u32 $0x7, v3;
	v4 =	vand.u32 $0xFFFFFFC0, v63  }
0x6a: {  	v3 =	vor.u32 v3, v4  }
0x6b: {  	v4 =	vperm.xlane v3, v0;
	_ =	sdelay $0x1  }
0x6c: {  	v4 =	vadd.s32 v1, v4;
	_ =	sdelay $0x4  }
0x6d: {  	[tilespmem:s22], [sflag:$0x2] =	stream.indirect_vreg.gather [hbm4b:s2+s3], $0x80, v4, vm0, $0xb8;
	[tilespmem:$0x10100] =	vst v63  }
0x6e: {  	v3 =	vperm.xlane v3, v2  }
0x6f: {  	[tilespmem:s23], [sflag:$0x2] =	stream.indirect_vreg.gather [hbm4b:s4+s3], $0x80, v4, vm0, $0xb8;
	[tilespmem:$0x10100] =	vst v63  }
0x70: {  	v3 =	vadd.s32 v1, v3  }
0x71: {  	[tilespmem:s24], [sflag:$0x2] =	stream.indirect_vreg.gather [hbm4b:s5+s3], $0x80, v4, vm0, $0xb8;
	[tilespmem:$0x10100] =	vst v63  }
0x72: {  	_ = 	snop  }
0x73: {  	[tilespmem:s25], [sflag:$0x2] =	stream.indirect_vreg.gather [hbm4b:s6+s3], $0x80, v4, vm0, $0xb8;
	[tilespmem:$0x10100] =	vst v63  }
0x74: {  	_ = 	snop  }
0x75: {  	[tilespmem:s26], [sflag:$0x2] =	stream.indirect_vreg.gather [hbm4b:s2+s3], $0x80, v3, vm0, $0xb8;
	[tilespmem:$0x10100] =	vst v63  }
0x76: {  	_ = 	snop  }
0x77: {  	[tilespmem:s28], [sflag:$0x2] =	stream.indirect_vreg.gather [hbm4b:s4+s3], $0x80, v3, vm0, $0xb8;
	[tilespmem:$0x10100] =	vst v63  }
0x78: {  	_ = 	snop  }
0x79: {  	[tilespmem:s29], [sflag:$0x2] =	stream.indirect_vreg.gather [hbm4b:s5+s3], $0x80, v3, vm0, $0xb8;
	[tilespmem:$0x10100] =	vst v63  }
0x7a: {  	_ = 	snop  }
0x7b: {  	[tilespmem:s30], [sflag:$0x2] =	stream.indirect_vreg.gather [hbm4b:s6+s3], $0x80, v3, vm0, $0xb8;
	[tilespmem:$0x10100] =	vst v63  }
0x7c: {  	_ =	swait.ge [sflag:s31], $0x8000  }
0x7d: {  	[sflag:s31] =	ssyncset.done $0x0  }
0x7e: {  	s10 =	rddreg [dreg:$0x5];
	[sflag:s31] =	ssyncadd.s32 $0xFFFF8000  }
0x7f: {  	[hbm4b:s10+s3] =	stream.linear.scatter [tilespmem:s9], [sflag:$0x1], $0x8000, $0x38;
	[tilespmem:$0x10100] =	vst v63  }
0x80: {  	_ =	swait.ge [sflag:s0], $0x8000  }
0x81: {  	[sflag:s0] =	ssyncset.done $0x0  }
0x82: {  	s10 =	rddreg [dreg:$0x6];
	[sflag:s0] =	ssyncadd.s32 $0xFFFF8000  }
0x83: {  	[hbm4b:s10+s3] =	stream.linear.scatter [tilespmem:s14], [sflag:$0x2], $0x8000, $0x38;
	[tilespmem:$0x10100] =	vst v63  }
0x84: {  	p0 =	sne.s32 s7, $0x1;
	_ =	swait.ge [sflag:s31], $0x8000  }
.Ltmp0:
0x85: {  	[sflag:s31] =	ssyncset.done $0x0;
	(pc) =	sbr.rel @p0 .LBB2_1-.Ltmp0, $4  }
0x86: {  	[sflag:s31] =	ssyncadd.s32 $0xFFFF8000  }
0x87: {  	_ =	swait.ge [sflag:s0], $0x8000  }
0x88: {  	[sflag:s0] =	ssyncset.done $0x0  }
0x89: {  	s7 =	sadd.s32 $0xFFFFFFFF, s7;
	[sflag:s0] =	ssyncadd.s32 $0xFFFF8000  }
0x8a: {  	_ =	sfence.sel $0x180000  }
0x8b: {  	[bflag:$0x0] =	sbarrier.arrive $0xFFFF  }
0x8c: {  	_ =	strace $0x90000050  }
0x8d: {  	s0 =	stileid.u32;
	[bflag:$0x2] =	sbarrier.arrive $0xFFFF  }
0x8e: {  	p0 =	sne.s32 s0, $0x0;
	s0 =	rddreg [dreg:$0x2]  }
0x8f: {  	s0 =	sadd.s32 @!p0 $0x100000, s0  }
0x90: {  	[sflag:s0] =	ssyncadd.tile.s32 @!p0 $0x1;
	_ =	shalt  }
.Lfunc_end2:
_tile_overlayer_lowered:
.L_overlay_start_2:
0x91: {  	(tag) =	ssettag $0x2  }
0x92: {  	s0 =	rddreg [dreg:$0x0];
	s2 =	stileid.u32  }
0x93: {  	s1 =	rddreg [dreg:$0x1];
	p0 =	sne.s32 s2, $0x0  }
0x94: {  	s3 =	rddreg [dreg:$0x2];
	[bflag:$0x3] =	sbarrier.arrive $0xFFFF;
	s2 =	simm.s32 @!p0 $0x1C03  }
0x95: {  	[timem:s3], [sflag:s2] =	dma.local @!p0 [hbm:s0], s1  }
0x96: {  	s0 =	simm.s32 @!p0 $0x3  }
0x97: {  	_ =	swait.ge @!p0 [sflag:s0], s1  }
0x98: {  	s1 =	ssub.s32 @!p0 $0x0, s1;
	[sflag:s0] =	ssyncset.done @!p0 $0x0  }
0x99: {  	[sflag:s0] =	ssyncadd.s32 @!p0 s1  }
0x9a: {  	[bflag:$0x3] =	sbarrier.arrive $0xFFFF  }
0x9b: {  	_ =	shalt  }

</sc_bundles>
